<compile_context>
chip_gen: v7x
topology: tpu7x:2x2x1
jax: 0.10.2.dev20260603
libtpu: 0.0.44.dev20260713+nightly
codegen_flags: <defaults>
</compile_context>

<pallas_src>
import jax
import jax.numpy as jnp
from jax import lax
from jax.experimental import pallas as pl
from jax.experimental.pallas import tpu as pltpu
from jax.experimental.pallas import tpu_sc as plsc

N = 10000
E = 320000
D = 128
DH = 64

NC = 2
NS = 16
NW = NC * NS

CHUNK = 128
NCH = 79
NCHG = NCH + 2
EPT = NCH * CHUNK
NPAD = 10112
ZROWS = NPAD // NS


def _sc_segment_sum_body(y_hbm, src_hbm, dst_hbm, zeros_hbm, part_hbm,
                         sidx, didx, rows, ytab, accum, semg, sems):
    c = lax.axis_index("c")
    s = lax.axis_index("s")
    wid = s * NC + c

    z0 = s * ZROWS
    pltpu.async_copy(src_hbm.at[wid], sidx, sems)
    pltpu.async_copy(dst_hbm.at[wid], didx, sems)
    pltpu.async_copy(y_hbm.at[pl.ds(z0, ZROWS)], ytab.at[pl.ds(z0, ZROWS)], sems)
    pltpu.async_copy(zeros_hbm.at[pl.ds(z0, ZROWS)], accum.at[pl.ds(z0, ZROWS)],
                     sems)
    pltpu.make_async_copy(src_hbm.at[wid], sidx, sems).wait()
    pltpu.make_async_copy(dst_hbm.at[wid], didx, sems).wait()
    pltpu.make_async_copy(y_hbm.at[pl.ds(z0, ZROWS)], ytab.at[pl.ds(z0, ZROWS)],
                          sems).wait()
    pltpu.make_async_copy(zeros_hbm.at[pl.ds(z0, ZROWS)],
                          accum.at[pl.ds(z0, ZROWS)], sems).wait()
    plsc.subcore_barrier()

    pltpu.async_copy(ytab.at[sidx.at[0]], rows.at[0], semg)
    pltpu.async_copy(ytab.at[sidx.at[1]], rows.at[1], semg)

    def chunk_body(j, carry):
        @pl.when(j >= 1)
        def _():
            pltpu.make_async_copy(rows.at[0], accum.at[didx.at[0]], sems).wait()

        pltpu.async_copy(ytab.at[sidx.at[j + 2]], rows.at[lax.rem(j + 2, 3)],
                         semg)
        pltpu.make_async_copy(ytab.at[sidx.at[0]], rows.at[0], semg).wait()
        pltpu.async_copy(rows.at[lax.rem(j, 3)], accum.at[didx.at[j]], sems,
                         add=True)
        return carry

    lax.fori_loop(0, NCH, chunk_body, 0)
    pltpu.make_async_copy(rows.at[0], accum.at[didx.at[0]], sems).wait()
    pltpu.make_async_copy(ytab.at[sidx.at[0]], rows.at[0], semg).wait()
    pltpu.make_async_copy(ytab.at[sidx.at[0]], rows.at[0], semg).wait()
    plsc.subcore_barrier()

    pltpu.sync_copy(accum.at[pl.ds(z0, ZROWS)], part_hbm.at[c, pl.ds(z0, ZROWS)])


_sc_segment_sum = pl.kernel(
    _sc_segment_sum_body,
    out_type=jax.ShapeDtypeStruct((NC, NPAD, DH), jnp.float32),
    mesh=plsc.VectorSubcoreMesh(
        core_axis_name="c", subcore_axis_name="s", num_cores=NC, num_subcores=NS
    ),
    scratch_types=[
        pltpu.VMEM((NCHG, CHUNK), jnp.int32),
        pltpu.VMEM((NCHG, CHUNK), jnp.int32),
        pltpu.VMEM((3, CHUNK, DH), jnp.float32),
        pltpu.VMEM_SHARED((NPAD, DH), jnp.float32),
        pltpu.VMEM_SHARED((NPAD, DH), jnp.float32),
        pltpu.SemaphoreType.DMA,
        pltpu.SemaphoreType.DMA,
    ],
    compiler_params=pltpu.CompilerParams(
        use_tc_tiling_on_sc=False, disable_bounds_checks=True
    ),
)


def _tc_mid_body(part_ref, x_ref, w_ref, b_ref, o_ref):
    agg = part_ref[0] + part_ref[1]
    h = jnp.tanh(jnp.dot(agg, w_ref[...], preferred_element_type=jnp.float32)
                 + b_ref[...])
    o_ref[:N] = x_ref[:, :DH] + h[:N]
    o_ref[N:] = h[N:]


def _tc_mid(part, x, w, b):
    return pl.pallas_call(
        _tc_mid_body,
        out_shape=jax.ShapeDtypeStruct((NPAD, DH), jnp.float32),
    )(part, x, w, b.reshape(1, DH))


def _tc_final_body(part_ref, x_ref, y0_ref, w_ref, b_ref, o_ref):
    agg = part_ref[0, :N] + part_ref[1, :N]
    h = jnp.tanh(jnp.dot(agg, w_ref[...], preferred_element_type=jnp.float32)
                 + b_ref[...])
    o_ref[:, :DH] = y0_ref[:N]
    o_ref[:, DH:] = x_ref[:, DH:] + h


def _tc_final(part, x, y0, w, b):
    return pl.pallas_call(
        _tc_final_body,
        out_shape=jax.ShapeDtypeStruct((N, D), jnp.float32),
    )(part, x, y0, w, b.reshape(1, DH))


@jax.jit
def kernel(x, edge_index, W0, b0, W1, b1):
    x1 = jnp.pad(x[:, DH:], ((0, NPAD - N), (0, 0)))
    pad = NW * EPT - E
    src = jnp.concatenate([edge_index[0], jnp.zeros((pad,), jnp.int32)])
    dst = jnp.concatenate(
        [edge_index[1], N + (jnp.arange(pad, dtype=jnp.int32) % (NPAD - N))])
    dummy = jnp.zeros((NW, NCHG - NCH, CHUNK), jnp.int32)
    src = jnp.concatenate([src.reshape(NW, NCH, CHUNK), dummy], axis=1)
    dst = jnp.concatenate([dst.reshape(NW, NCH, CHUNK), N + dummy], axis=1)
    zeros = jnp.zeros((NPAD, DH), jnp.float32)

    p0 = _sc_segment_sum(x1, src, dst, zeros)
    y0 = _tc_mid(p0, x, W0, b0)
    p1 = _sc_segment_sum(y0, src, dst, zeros)
    return _tc_final(p1, x, y0, W1, b1)

# --- scband reference (transcript-rebuilt; emitter-appended) ---
"""Pipeline reference for scband-group-additive-coupling-20675972563255 (READ-ONLY COPY).

The authoritative reference and input builder live on the scoring server;
editing this copy changes nothing except your own understanding.
"""

import jax, jax.numpy as jnp
import numpy as np

N = 10000
E = 320000
D = 128
G = 2
DH = D // G  # 64: per-group feature dim, each Fm maps DH -> DH


def _fm(y, edge_index, W, b):
    # Simple message-passing block: gather src features, scatter-add to dst, linear + tanh.
    src = edge_index[0]
    dst = edge_index[1]
    msgs = jnp.take(y, src, axis=0)
    agg = jnp.zeros_like(y).at[dst].add(msgs)
    return jnp.tanh(agg @ W + b)


def setup_inputs(seed: int = 0) -> dict:
    key = jax.random.key(seed)
    k1, k2, k3, k4, k5, k6 = jax.random.split(key, 6)
    x = jax.random.normal(k1, (N, D), dtype=jnp.float32)
    edge_index = jax.random.randint(k2, (2, E), 0, N, dtype=jnp.int32)
    scale = 1.0 / np.sqrt(DH)
    W0 = jax.random.normal(k3, (DH, DH), dtype=jnp.float32) * scale
    b0 = jnp.zeros((DH,), dtype=jnp.float32)
    W1 = jax.random.normal(k4, (DH, DH), dtype=jnp.float32) * scale
    b1 = jnp.zeros((DH,), dtype=jnp.float32)
    return {"x": x, "edge_index": edge_index, "W0": W0, "b0": b0, "W1": W1, "b1": b1}


def reference(x, edge_index, W0, b0, W1, b1):
    # GroupAdditiveCoupling.forward with group=2, split_dim=-1, no extra args
    xs = jnp.split(x, G, axis=-1)
    params = [(W0, b0), (W1, b1)]
    y_in = xs[1]  # sum(xs[1:]) with group=2 is just xs[1]
    ys = []
    for i in range(G):
        Fmd = _fm(y_in, edge_index, params[i][0], params[i][1])
        y = xs[i] + Fmd
        y_in = y
        ys.append(y)
    out = jnp.concatenate(ys, axis=-1)
    return out

if __name__ == "__main__":
    import jax
    _d = setup_inputs()
    print(jax.jit(kernel)(*tuple(_d.values())))

</pallas_src>

<mosaic_0001>
#map = affine_map<(d0, d1) -> (0, 0)>
#map1 = affine_map<(d0, d1) -> (0, 0, 0)>
module attributes {stable_mosaic.version = 14 : i64} {
  func.func @_sc_segment_sum_body(%arg0: i32, %arg1: i32, %arg2: memref<10112x64xf32, #tpu.memory_space<hbm>>, %arg3: memref<32x81x128xi32, #tpu.memory_space<hbm>>, %arg4: memref<32x81x128xi32, #tpu.memory_space<hbm>>, %arg5: memref<10112x64xf32, #tpu.memory_space<hbm>>, %arg6: memref<2x10112x64xf32, #tpu.memory_space<hbm>>, %arg7: memref<81x128xi32, #tpu.memory_space<vmem>>, %arg8: memref<81x128xi32, #tpu.memory_space<vmem>>, %arg9: memref<3x128x64xf32, #tpu.memory_space<vmem>>, %arg10: memref<10112x64xf32, #tpu.memory_space<vmem_shared>>, %arg11: memref<10112x64xf32, #tpu.memory_space<vmem_shared>>, %arg12: memref<!tpu.dma_semaphore, #tpu.memory_space<semaphore_mem>>, %arg13: memref<!tpu.dma_semaphore, #tpu.memory_space<semaphore_mem>>) attributes {dimension_semantics = [#tpu.dimension_semantics<core_parallel>, #tpu.dimension_semantics<subcore_parallel>], iteration_bounds = array<i64: 2, 16>, scalar_prefetch = 0 : i64, scratch_operands = 7 : i64, tpu.core_type = #tpu.core_type<sc_vector_subcore>, window_params = [{transform_indices = #map}, {transform_indices = #map1}, {transform_indices = #map1}, {transform_indices = #map}, {transform_indices = #map1}]} {
    %mul3A = arith.constant 2 : i32
    %mul3A_0 = arith.muli %arg1, %mul3A : i32
    %add3A = arith.addi %mul3A_0, %arg0 : i32
    %mul3A_1 = arith.constant 632 : i32
    %mul3A_2 = arith.muli %arg1, %mul3A_1 : i32
    %dma_start3A = arith.constant 0 : i32
    %dma_start3A_3 = arith.constant 0 : i32
    %dma_start3A_4 = tpu.memref_slice %arg3[%add3A, %dma_start3A, %dma_start3A_3] : memref<32x81x128xi32, #tpu.memory_space<hbm>> -> memref<1x81x128xi32, #tpu.memory_space<hbm>>
    %dma_start3A_5 = tpu.memref_squeeze %dma_start3A_4 : memref<1x81x128xi32, #tpu.memory_space<hbm>> -> memref<81x128xi32, #tpu.memory_space<hbm>>
    %dma_start3A_6 = arith.constant 0 : i32
    %dma_start3A_7 = arith.constant 0 : i32
    %dma_start3A_8 = tpu.memref_slice %arg3[%add3A, %dma_start3A_6, %dma_start3A_7] : memref<32x81x128xi32, #tpu.memory_space<hbm>> -> memref<1x81x128xi32, #tpu.memory_space<hbm>>
    %dma_start3A_9 = tpu.memref_squeeze %dma_start3A_8 : memref<1x81x128xi32, #tpu.memory_space<hbm>> -> memref<81x128xi32, #tpu.memory_space<hbm>>
    tpu.enqueue_dma source(%dma_start3A_9 : memref<81x128xi32, #tpu.memory_space<hbm>>) target(%arg7 : memref<81x128xi32, #tpu.memory_space<vmem>>) target_semaphore(%arg13 : memref<!tpu.dma_semaphore, #tpu.memory_space<semaphore_mem>>)
    %dma_start3A_10 = arith.constant 0 : i32
    %dma_start3A_11 = arith.constant 0 : i32
    %dma_start3A_12 = tpu.memref_slice %arg4[%add3A, %dma_start3A_10, %dma_start3A_11] : memref<32x81x128xi32, #tpu.memory_space<hbm>> -> memref<1x81x128xi32, #tpu.memory_space<hbm>>
    %dma_start3A_13 = tpu.memref_squeeze %dma_start3A_12 : memref<1x81x128xi32, #tpu.memory_space<hbm>> -> memref<81x128xi32, #tpu.memory_space<hbm>>
    %dma_start3A_14 = arith.constant 0 : i32
    %dma_start3A_15 = arith.constant 0 : i32
    %dma_start3A_16 = tpu.memref_slice %arg4[%add3A, %dma_start3A_14, %dma_start3A_15] : memref<32x81x128xi32, #tpu.memory_space<hbm>> -> memref<1x81x128xi32, #tpu.memory_space<hbm>>
    %dma_start3A_17 = tpu.memref_squeeze %dma_start3A_16 : memref<1x81x128xi32, #tpu.memory_space<hbm>> -> memref<81x128xi32, #tpu.memory_space<hbm>>
    tpu.enqueue_dma source(%dma_start3A_17 : memref<81x128xi32, #tpu.memory_space<hbm>>) target(%arg8 : memref<81x128xi32, #tpu.memory_space<vmem>>) target_semaphore(%arg13 : memref<!tpu.dma_semaphore, #tpu.memory_space<semaphore_mem>>)
    %dma_start3A_18 = arith.constant 0 : i32
    %dma_start3A_19 = tpu.memref_slice %arg10[%mul3A_2, %dma_start3A_18] : memref<10112x64xf32, #tpu.memory_space<vmem_shared>> -> memref<632x64xf32, #tpu.memory_space<vmem_shared>>
    %dma_start3A_20 = arith.constant 0 : i32
    %dma_start3A_21 = tpu.memref_slice %arg2[%mul3A_2, %dma_start3A_20] : memref<10112x64xf32, #tpu.memory_space<hbm>> -> memref<632x64xf32, #tpu.memory_space<hbm>>
    tpu.enqueue_dma source(%dma_start3A_21 : memref<632x64xf32, #tpu.memory_space<hbm>>) target(%dma_start3A_19 : memref<632x64xf32, #tpu.memory_space<vmem_shared>>) target_semaphore(%arg13 : memref<!tpu.dma_semaphore, #tpu.memory_space<semaphore_mem>>)
    %dma_start3A_22 = arith.constant 0 : i32
    %dma_start3A_23 = tpu.memref_slice %arg11[%mul3A_2, %dma_start3A_22] : memref<10112x64xf32, #tpu.memory_space<vmem_shared>> -> memref<632x64xf32, #tpu.memory_space<vmem_shared>>
    %dma_start3A_24 = arith.constant 0 : i32
    %dma_start3A_25 = tpu.memref_slice %arg5[%mul3A_2, %dma_start3A_24] : memref<10112x64xf32, #tpu.memory_space<hbm>> -> memref<632x64xf32, #tpu.memory_space<hbm>>
    tpu.enqueue_dma source(%dma_start3A_25 : memref<632x64xf32, #tpu.memory_space<hbm>>) target(%dma_start3A_23 : memref<632x64xf32, #tpu.memory_space<vmem_shared>>) target_semaphore(%arg13 : memref<!tpu.dma_semaphore, #tpu.memory_space<semaphore_mem>>)
    %dma_wait3A = arith.constant 0 : i32
    %dma_wait3A_26 = arith.constant 0 : i32
    %dma_wait3A_27 = tpu.memref_slice %arg3[%add3A, %dma_wait3A, %dma_wait3A_26] : memref<32x81x128xi32, #tpu.memory_space<hbm>> -> memref<1x81x128xi32, #tpu.memory_space<hbm>>
    %dma_wait3A_28 = tpu.memref_squeeze %dma_wait3A_27 : memref<1x81x128xi32, #tpu.memory_space<hbm>> -> memref<81x128xi32, #tpu.memory_space<hbm>>
    %dma_wait3A_29 = arith.constant 0 : i32
    %dma_wait3A_30 = arith.constant 0 : i32
    %dma_wait3A_31 = tpu.memref_slice %arg3[%add3A, %dma_wait3A_29, %dma_wait3A_30] : memref<32x81x128xi32, #tpu.memory_space<hbm>> -> memref<1x81x128xi32, #tpu.memory_space<hbm>>
    %dma_wait3A_32 = tpu.memref_squeeze %dma_wait3A_31 : memref<1x81x128xi32, #tpu.memory_space<hbm>> -> memref<81x128xi32, #tpu.memory_space<hbm>>
    tpu.wait_dma2 semaphore(%arg13 : memref<!tpu.dma_semaphore, #tpu.memory_space<semaphore_mem>>) src(%dma_wait3A_32 : memref<81x128xi32, #tpu.memory_space<hbm>>) dst(%arg7 : memref<81x128xi32, #tpu.memory_space<vmem>>)
    %dma_wait3A_33 = arith.constant 0 : i32
    %dma_wait3A_34 = arith.constant 0 : i32
    %dma_wait3A_35 = tpu.memref_slice %arg4[%add3A, %dma_wait3A_33, %dma_wait3A_34] : memref<32x81x128xi32, #tpu.memory_space<hbm>> -> memref<1x81x128xi32, #tpu.memory_space<hbm>>
    %dma_wait3A_36 = tpu.memref_squeeze %dma_wait3A_35 : memref<1x81x128xi32, #tpu.memory_space<hbm>> -> memref<81x128xi32, #tpu.memory_space<hbm>>
    %dma_wait3A_37 = arith.constant 0 : i32
    %dma_wait3A_38 = arith.constant 0 : i32
    %dma_wait3A_39 = tpu.memref_slice %arg4[%add3A, %dma_wait3A_37, %dma_wait3A_38] : memref<32x81x128xi32, #tpu.memory_space<hbm>> -> memref<1x81x128xi32, #tpu.memory_space<hbm>>
    %dma_wait3A_40 = tpu.memref_squeeze %dma_wait3A_39 : memref<1x81x128xi32, #tpu.memory_space<hbm>> -> memref<81x128xi32, #tpu.memory_space<hbm>>
    tpu.wait_dma2 semaphore(%arg13 : memref<!tpu.dma_semaphore, #tpu.memory_space<semaphore_mem>>) src(%dma_wait3A_40 : memref<81x128xi32, #tpu.memory_space<hbm>>) dst(%arg8 : memref<81x128xi32, #tpu.memory_space<vmem>>)
    %dma_wait3A_41 = arith.constant 0 : i32
    %dma_wait3A_42 = tpu.memref_slice %arg10[%mul3A_2, %dma_wait3A_41] : memref<10112x64xf32, #tpu.memory_space<vmem_shared>> -> memref<632x64xf32, #tpu.memory_space<vmem_shared>>
    %dma_wait3A_43 = arith.constant 0 : i32
    %dma_wait3A_44 = tpu.memref_slice %arg2[%mul3A_2, %dma_wait3A_43] : memref<10112x64xf32, #tpu.memory_space<hbm>> -> memref<632x64xf32, #tpu.memory_space<hbm>>
    tpu.wait_dma2 semaphore(%arg13 : memref<!tpu.dma_semaphore, #tpu.memory_space<semaphore_mem>>) src(%dma_wait3A_44 : memref<632x64xf32, #tpu.memory_space<hbm>>) dst(%dma_wait3A_42 : memref<632x64xf32, #tpu.memory_space<vmem_shared>>)
    %dma_wait3A_45 = arith.constant 0 : i32
    %dma_wait3A_46 = tpu.memref_slice %arg11[%mul3A_2, %dma_wait3A_45] : memref<10112x64xf32, #tpu.memory_space<vmem_shared>> -> memref<632x64xf32, #tpu.memory_space<vmem_shared>>
    %dma_wait3A_47 = arith.constant 0 : i32
    %dma_wait3A_48 = tpu.memref_slice %arg5[%mul3A_2, %dma_wait3A_47] : memref<10112x64xf32, #tpu.memory_space<hbm>> -> memref<632x64xf32, #tpu.memory_space<hbm>>
    tpu.wait_dma2 semaphore(%arg13 : memref<!tpu.dma_semaphore, #tpu.memory_space<semaphore_mem>>) src(%dma_wait3A_48 : memref<632x64xf32, #tpu.memory_space<hbm>>) dst(%dma_wait3A_46 : memref<632x64xf32, #tpu.memory_space<vmem_shared>>)
    %barrier3A = arith.constant 0 : index
    tpu.barrier barrier_id(%barrier3A)
    %dma_start3A_49 = arith.constant 0 : i32
    %dma_start3A_50 = arith.constant 0 : i32
    %dma_start3A_51 = arith.constant 0 : i32
    %dma_start3A_52 = arith.constant 0 : i32
    %dma_start3A_53 = tpu.memref_slice %arg9[%dma_start3A_50, %dma_start3A_51, %dma_start3A_52] : memref<3x128x64xf32, #tpu.memory_space<vmem>> -> memref<1x128x64xf32, #tpu.memory_space<vmem>>
    %dma_start3A_54 = tpu.memref_squeeze %dma_start3A_53 : memref<1x128x64xf32, #tpu.memory_space<vmem>> -> memref<128x64xf32, #tpu.memory_space<vmem>>
    %dma_start3A_55 = arith.constant 0 : i32
    %dma_start3A_56 = tpu.memref_slice %arg7[%dma_start3A_49, %dma_start3A_55] : memref<81x128xi32, #tpu.memory_space<vmem>> -> memref<1x128xi32, #tpu.memory_space<vmem>>
    %dma_start3A_57 = tpu.memref_squeeze %dma_start3A_56 : memref<1x128xi32, #tpu.memory_space<vmem>> -> memref<128xi32, #tpu.memory_space<vmem>>
    %dma_start3A_58 = arith.constant 0 : i32
    %dma_start3A_59 = arith.constant 0 : i32
    %dma_start3A_60 = tpu.memref_slice %arg10[%dma_start3A_58, %dma_start3A_59] : memref<10112x64xf32, #tpu.memory_space<vmem_shared>> -> memref<10112x64xf32, #tpu.memory_space<vmem_shared>>
    tpu.enqueue_indirect_dma source(%dma_start3A_60 : memref<10112x64xf32, #tpu.memory_space<vmem_shared>>) target(%dma_start3A_54 : memref<128x64xf32, #tpu.memory_space<vmem>>) offsets(%dma_start3A_57 : memref<128xi32, #tpu.memory_space<vmem>>) semaphore(%arg12 : memref<!tpu.dma_semaphore, #tpu.memory_space<semaphore_mem>>)
    %dma_start3A_61 = arith.constant 1 : i32
    %dma_start3A_62 = arith.constant 1 : i32
    %dma_start3A_63 = arith.constant 0 : i32
    %dma_start3A_64 = arith.constant 0 : i32
    %dma_start3A_65 = tpu.memref_slice %arg9[%dma_start3A_62, %dma_start3A_63, %dma_start3A_64] : memref<3x128x64xf32, #tpu.memory_space<vmem>> -> memref<1x128x64xf32, #tpu.memory_space<vmem>>
    %dma_start3A_66 = tpu.memref_squeeze %dma_start3A_65 : memref<1x128x64xf32, #tpu.memory_space<vmem>> -> memref<128x64xf32, #tpu.memory_space<vmem>>
    %dma_start3A_67 = arith.constant 0 : i32
    %dma_start3A_68 = tpu.memref_slice %arg7[%dma_start3A_61, %dma_start3A_67] : memref<81x128xi32, #tpu.memory_space<vmem>> -> memref<1x128xi32, #tpu.memory_space<vmem>>
    %dma_start3A_69 = tpu.memref_squeeze %dma_start3A_68 : memref<1x128xi32, #tpu.memory_space<vmem>> -> memref<128xi32, #tpu.memory_space<vmem>>
    %dma_start3A_70 = arith.constant 0 : i32
    %dma_start3A_71 = arith.constant 0 : i32
    %dma_start3A_72 = tpu.memref_slice %arg10[%dma_start3A_70, %dma_start3A_71] : memref<10112x64xf32, #tpu.memory_space<vmem_shared>> -> memref<10112x64xf32, #tpu.memory_space<vmem_shared>>
    tpu.enqueue_indirect_dma source(%dma_start3A_72 : memref<10112x64xf32, #tpu.memory_space<vmem_shared>>) target(%dma_start3A_66 : memref<128x64xf32, #tpu.memory_space<vmem>>) offsets(%dma_start3A_69 : memref<128xi32, #tpu.memory_space<vmem>>) semaphore(%arg12 : memref<!tpu.dma_semaphore, #tpu.memory_space<semaphore_mem>>)
    %scan3A = arith.constant 0 : i32
    %scan3A_73 = arith.constant 0 : i32
    %scan3A_74 = arith.constant 79 : i32
    %scan3A_75 = arith.addi %scan3A_73, %scan3A_74 : i32
    %scan3A_76 = arith.constant 1 : i32
    scf.for %scan3A_115 = %scan3A_73 to %scan3A_75 step %scan3A_76  : i32 {
      %ge3A = arith.constant 1 : i32
      %ge3A_116 = arith.cmpi sge, %scan3A_115, %ge3A : i32
      %convert_element_type3A = arith.extui %ge3A_116 : i1 to i32
      %cond3A = arith.constant 0 : i32
      %cond3A_117 = arith.cmpi ne, %convert_element_type3A, %cond3A : i32
      scf.if %cond3A_117 {
        %dma_wait3A_157 = arith.constant 0 : i32
        %dma_wait3A_158 = arith.constant 0 : i32
        %dma_wait3A_159 = arith.constant 0 : i32
        %dma_wait3A_160 = arith.constant 0 : i32
        %dma_wait3A_161 = tpu.memref_slice %arg9[%dma_wait3A_157, %dma_wait3A_159, %dma_wait3A_160] : memref<3x128x64xf32, #tpu.memory_space<vmem>> -> memref<1x128x64xf32, #tpu.memory_space<vmem>>
        %dma_wait3A_162 = tpu.memref_squeeze %dma_wait3A_161 : memref<1x128x64xf32, #tpu.memory_space<vmem>> -> memref<128x64xf32, #tpu.memory_space<vmem>>
        %dma_wait3A_163 = arith.constant 0 : i32
        %dma_wait3A_164 = tpu.memref_slice %arg8[%dma_wait3A_158, %dma_wait3A_163] : memref<81x128xi32, #tpu.memory_space<vmem>> -> memref<1x128xi32, #tpu.memory_space<vmem>>
        %dma_wait3A_165 = tpu.memref_squeeze %dma_wait3A_164 : memref<1x128xi32, #tpu.memory_space<vmem>> -> memref<128xi32, #tpu.memory_space<vmem>>
        %dma_wait3A_166 = arith.constant 0 : i32
        %dma_wait3A_167 = arith.constant 0 : i32
        %dma_wait3A_168 = tpu.memref_slice %arg11[%dma_wait3A_166, %dma_wait3A_167] : memref<10112x64xf32, #tpu.memory_space<vmem_shared>> -> memref<10112x64xf32, #tpu.memory_space<vmem_shared>>
        tpu.wait_indirect_dma semaphore(%arg13 : memref<!tpu.dma_semaphore, #tpu.memory_space<semaphore_mem>>) src(%dma_wait3A_162 : memref<128x64xf32, #tpu.memory_space<vmem>>) dst(%dma_wait3A_168 : memref<10112x64xf32, #tpu.memory_space<vmem_shared>>)
      } else {
      }
      %add3A_118 = arith.constant 2 : i32
      %add3A_119 = arith.addi %scan3A_115, %add3A_118 : i32
      %add3A_120 = arith.constant 2 : i32
      %add3A_121 = arith.addi %scan3A_115, %add3A_120 : i32
      %rem3A = arith.constant 3 : i32
      %rem3A_122 = arith.remsi %add3A_121, %rem3A : i32
      %dma_start3A_123 = arith.constant 0 : i32
      %dma_start3A_124 = arith.constant 0 : i32
      %dma_start3A_125 = tpu.memref_slice %arg9[%rem3A_122, %dma_start3A_123, %dma_start3A_124] : memref<3x128x64xf32, #tpu.memory_space<vmem>> -> memref<1x128x64xf32, #tpu.memory_space<vmem>>
      %dma_start3A_126 = tpu.memref_squeeze %dma_start3A_125 : memref<1x128x64xf32, #tpu.memory_space<vmem>> -> memref<128x64xf32, #tpu.memory_space<vmem>>
      %dma_start3A_127 = arith.constant 0 : i32
      %dma_start3A_128 = tpu.memref_slice %arg7[%add3A_119, %dma_start3A_127] : memref<81x128xi32, #tpu.memory_space<vmem>> -> memref<1x128xi32, #tpu.memory_space<vmem>>
      %dma_start3A_129 = tpu.memref_squeeze %dma_start3A_128 : memref<1x128xi32, #tpu.memory_space<vmem>> -> memref<128xi32, #tpu.memory_space<vmem>>
      %dma_start3A_130 = arith.constant 0 : i32
      %dma_start3A_131 = arith.constant 0 : i32
      %dma_start3A_132 = tpu.memref_slice %arg10[%dma_start3A_130, %dma_start3A_131] : memref<10112x64xf32, #tpu.memory_space<vmem_shared>> -> memref<10112x64xf32, #tpu.memory_space<vmem_shared>>
      tpu.enqueue_indirect_dma source(%dma_start3A_132 : memref<10112x64xf32, #tpu.memory_space<vmem_shared>>) target(%dma_start3A_126 : memref<128x64xf32, #tpu.memory_space<vmem>>) offsets(%dma_start3A_129 : memref<128xi32, #tpu.memory_space<vmem>>) semaphore(%arg12 : memref<!tpu.dma_semaphore, #tpu.memory_space<semaphore_mem>>)
      %dma_wait3A_133 = arith.constant 0 : i32
      %dma_wait3A_134 = arith.constant 0 : i32
      %dma_wait3A_135 = arith.constant 0 : i32
      %dma_wait3A_136 = arith.constant 0 : i32
      %dma_wait3A_137 = tpu.memref_slice %arg9[%dma_wait3A_134, %dma_wait3A_135, %dma_wait3A_136] : memref<3x128x64xf32, #tpu.memory_space<vmem>> -> memref<1x128x64xf32, #tpu.memory_space<vmem>>
      %dma_wait3A_138 = tpu.memref_squeeze %dma_wait3A_137 : memref<1x128x64xf32, #tpu.memory_space<vmem>> -> memref<128x64xf32, #tpu.memory_space<vmem>>
      %dma_wait3A_139 = arith.constant 0 : i32
      %dma_wait3A_140 = tpu.memref_slice %arg7[%dma_wait3A_133, %dma_wait3A_139] : memref<81x128xi32, #tpu.memory_space<vmem>> -> memref<1x128xi32, #tpu.memory_space<vmem>>
      %dma_wait3A_141 = tpu.memref_squeeze %dma_wait3A_140 : memref<1x128xi32, #tpu.memory_space<vmem>> -> memref<128xi32, #tpu.memory_space<vmem>>
      %dma_wait3A_142 = arith.constant 0 : i32
      %dma_wait3A_143 = arith.constant 0 : i32
      %dma_wait3A_144 = tpu.memref_slice %arg10[%dma_wait3A_142, %dma_wait3A_143] : memref<10112x64xf32, #tpu.memory_space<vmem_shared>> -> memref<10112x64xf32, #tpu.memory_space<vmem_shared>>
      tpu.wait_indirect_dma semaphore(%arg12 : memref<!tpu.dma_semaphore, #tpu.memory_space<semaphore_mem>>) src(%dma_wait3A_144 : memref<10112x64xf32, #tpu.memory_space<vmem_shared>>) dst(%dma_wait3A_138 : memref<128x64xf32, #tpu.memory_space<vmem>>)
      %rem3A_145 = arith.constant 3 : i32
      %rem3A_146 = arith.remsi %scan3A_115, %rem3A_145 : i32
      %dma_start3A_147 = arith.constant 0 : i32
      %dma_start3A_148 = arith.constant 0 : i32
      %dma_start3A_149 = tpu.memref_slice %arg9[%rem3A_146, %dma_start3A_147, %dma_start3A_148] : memref<3x128x64xf32, #tpu.memory_space<vmem>> -> memref<1x128x64xf32, #tpu.memory_space<vmem>>
      %dma_start3A_150 = tpu.memref_squeeze %dma_start3A_149 : memref<1x128x64xf32, #tpu.memory_space<vmem>> -> memref<128x64xf32, #tpu.memory_space<vmem>>
      %dma_start3A_151 = arith.constant 0 : i32
      %dma_start3A_152 = tpu.memref_slice %arg8[%scan3A_115, %dma_start3A_151] : memref<81x128xi32, #tpu.memory_space<vmem>> -> memref<1x128xi32, #tpu.memory_space<vmem>>
      %dma_start3A_153 = tpu.memref_squeeze %dma_start3A_152 : memref<1x128xi32, #tpu.memory_space<vmem>> -> memref<128xi32, #tpu.memory_space<vmem>>
      %dma_start3A_154 = arith.constant 0 : i32
      %dma_start3A_155 = arith.constant 0 : i32
      %dma_start3A_156 = tpu.memref_slice %arg11[%dma_start3A_154, %dma_start3A_155] : memref<10112x64xf32, #tpu.memory_space<vmem_shared>> -> memref<10112x64xf32, #tpu.memory_space<vmem_shared>>
      tpu.enqueue_indirect_dma source(%dma_start3A_150 : memref<128x64xf32, #tpu.memory_space<vmem>>) target(%dma_start3A_156 : memref<10112x64xf32, #tpu.memory_space<vmem_shared>>) offsets(%dma_start3A_153 : memref<128xi32, #tpu.memory_space<vmem>>) semaphore(%arg13 : memref<!tpu.dma_semaphore, #tpu.memory_space<semaphore_mem>>) {add = true}
    }
    %scan3A_77 = arith.constant 79 : i32
    %dma_wait3A_78 = arith.constant 0 : i32
    %dma_wait3A_79 = arith.constant 0 : i32
    %dma_wait3A_80 = arith.constant 0 : i32
    %dma_wait3A_81 = arith.constant 0 : i32
    %dma_wait3A_82 = tpu.memref_slice %arg9[%dma_wait3A_78, %dma_wait3A_80, %dma_wait3A_81] : memref<3x128x64xf32, #tpu.memory_space<vmem>> -> memref<1x128x64xf32, #tpu.memory_space<vmem>>
    %dma_wait3A_83 = tpu.memref_squeeze %dma_wait3A_82 : memref<1x128x64xf32, #tpu.memory_space<vmem>> -> memref<128x64xf32, #tpu.memory_space<vmem>>
    %dma_wait3A_84 = arith.constant 0 : i32
    %dma_wait3A_85 = tpu.memref_slice %arg8[%dma_wait3A_79, %dma_wait3A_84] : memref<81x128xi32, #tpu.memory_space<vmem>> -> memref<1x128xi32, #tpu.memory_space<vmem>>
    %dma_wait3A_86 = tpu.memref_squeeze %dma_wait3A_85 : memref<1x128xi32, #tpu.memory_space<vmem>> -> memref<128xi32, #tpu.memory_space<vmem>>
    %dma_wait3A_87 = arith.constant 0 : i32
    %dma_wait3A_88 = arith.constant 0 : i32
    %dma_wait3A_89 = tpu.memref_slice %arg11[%dma_wait3A_87, %dma_wait3A_88] : memref<10112x64xf32, #tpu.memory_space<vmem_shared>> -> memref<10112x64xf32, #tpu.memory_space<vmem_shared>>
    tpu.wait_indirect_dma semaphore(%arg13 : memref<!tpu.dma_semaphore, #tpu.memory_space<semaphore_mem>>) src(%dma_wait3A_83 : memref<128x64xf32, #tpu.memory_space<vmem>>) dst(%dma_wait3A_89 : memref<10112x64xf32, #tpu.memory_space<vmem_shared>>)
    %dma_wait3A_90 = arith.constant 0 : i32
    %dma_wait3A_91 = arith.constant 0 : i32
    %dma_wait3A_92 = arith.constant 0 : i32
    %dma_wait3A_93 = arith.constant 0 : i32
    %dma_wait3A_94 = tpu.memref_slice %arg9[%dma_wait3A_91, %dma_wait3A_92, %dma_wait3A_93] : memref<3x128x64xf32, #tpu.memory_space<vmem>> -> memref<1x128x64xf32, #tpu.memory_space<vmem>>
    %dma_wait3A_95 = tpu.memref_squeeze %dma_wait3A_94 : memref<1x128x64xf32, #tpu.memory_space<vmem>> -> memref<128x64xf32, #tpu.memory_space<vmem>>
    %dma_wait3A_96 = arith.constant 0 : i32
    %dma_wait3A_97 = tpu.memref_slice %arg7[%dma_wait3A_90, %dma_wait3A_96] : memref<81x128xi32, #tpu.memory_space<vmem>> -> memref<1x128xi32, #tpu.memory_space<vmem>>
    %dma_wait3A_98 = tpu.memref_squeeze %dma_wait3A_97 : memref<1x128xi32, #tpu.memory_space<vmem>> -> memref<128xi32, #tpu.memory_space<vmem>>
    %dma_wait3A_99 = arith.constant 0 : i32
    %dma_wait3A_100 = arith.constant 0 : i32
    %dma_wait3A_101 = tpu.memref_slice %arg10[%dma_wait3A_99, %dma_wait3A_100] : memref<10112x64xf32, #tpu.memory_space<vmem_shared>> -> memref<10112x64xf32, #tpu.memory_space<vmem_shared>>
    tpu.wait_indirect_dma semaphore(%arg12 : memref<!tpu.dma_semaphore, #tpu.memory_space<semaphore_mem>>) src(%dma_wait3A_101 : memref<10112x64xf32, #tpu.memory_space<vmem_shared>>) dst(%dma_wait3A_95 : memref<128x64xf32, #tpu.memory_space<vmem>>)
    %dma_wait3A_102 = arith.constant 0 : i32
    %dma_wait3A_103 = arith.constant 0 : i32
    %dma_wait3A_104 = arith.constant 0 : i32
    %dma_wait3A_105 = arith.constant 0 : i32
    %dma_wait3A_106 = tpu.memref_slice %arg9[%dma_wait3A_103, %dma_wait3A_104, %dma_wait3A_105] : memref<3x128x64xf32, #tpu.memory_space<vmem>> -> memref<1x128x64xf32, #tpu.memory_space<vmem>>
    %dma_wait3A_107 = tpu.memref_squeeze %dma_wait3A_106 : memref<1x128x64xf32, #tpu.memory_space<vmem>> -> memref<128x64xf32, #tpu.memory_space<vmem>>
    %dma_wait3A_108 = arith.constant 0 : i32
    %dma_wait3A_109 = tpu.memref_slice %arg7[%dma_wait3A_102, %dma_wait3A_108] : memref<81x128xi32, #tpu.memory_space<vmem>> -> memref<1x128xi32, #tpu.memory_space<vmem>>
    %dma_wait3A_110 = tpu.memref_squeeze %dma_wait3A_109 : memref<1x128xi32, #tpu.memory_space<vmem>> -> memref<128xi32, #tpu.memory_space<vmem>>
    %dma_wait3A_111 = arith.constant 0 : i32
    %dma_wait3A_112 = arith.constant 0 : i32
    %dma_wait3A_113 = tpu.memref_slice %arg10[%dma_wait3A_111, %dma_wait3A_112] : memref<10112x64xf32, #tpu.memory_space<vmem_shared>> -> memref<10112x64xf32, #tpu.memory_space<vmem_shared>>
    tpu.wait_indirect_dma semaphore(%arg12 : memref<!tpu.dma_semaphore, #tpu.memory_space<semaphore_mem>>) src(%dma_wait3A_113 : memref<10112x64xf32, #tpu.memory_space<vmem_shared>>) dst(%dma_wait3A_107 : memref<128x64xf32, #tpu.memory_space<vmem>>)
    %barrier3A_114 = arith.constant 0 : index
    tpu.barrier barrier_id(%barrier3A_114)
    "tpu.region"() ({
      %run_scoped3A = tpu.sem_alloc : memref<!tpu.dma_semaphore, #tpu.memory_space<semaphore_mem>>
      %dma_start3A_115 = arith.constant 0 : i32
      %dma_start3A_116 = tpu.memref_slice %arg6[%arg0, %mul3A_2, %dma_start3A_115] : memref<2x10112x64xf32, #tpu.memory_space<hbm>> -> memref<1x632x64xf32, #tpu.memory_space<hbm>>
      %dma_start3A_117 = tpu.memref_squeeze %dma_start3A_116 : memref<1x632x64xf32, #tpu.memory_space<hbm>> -> memref<632x64xf32, #tpu.memory_space<hbm>>
      %dma_start3A_118 = arith.constant 0 : i32
      %dma_start3A_119 = tpu.memref_slice %arg11[%mul3A_2, %dma_start3A_118] : memref<10112x64xf32, #tpu.memory_space<vmem_shared>> -> memref<632x64xf32, #tpu.memory_space<vmem_shared>>
      tpu.enqueue_dma source(%dma_start3A_119 : memref<632x64xf32, #tpu.memory_space<vmem_shared>>) target(%dma_start3A_117 : memref<632x64xf32, #tpu.memory_space<hbm>>) target_semaphore(%run_scoped3A : memref<!tpu.dma_semaphore, #tpu.memory_space<semaphore_mem>>)
      %dma_wait3A_120 = arith.constant 0 : i32
      %dma_wait3A_121 = tpu.memref_slice %arg6[%arg0, %mul3A_2, %dma_wait3A_120] : memref<2x10112x64xf32, #tpu.memory_space<hbm>> -> memref<1x632x64xf32, #tpu.memory_space<hbm>>
      %dma_wait3A_122 = tpu.memref_squeeze %dma_wait3A_121 : memref<1x632x64xf32, #tpu.memory_space<hbm>> -> memref<632x64xf32, #tpu.memory_space<hbm>>
      %dma_wait3A_123 = arith.constant 0 : i32
      %dma_wait3A_124 = tpu.memref_slice %arg11[%mul3A_2, %dma_wait3A_123] : memref<10112x64xf32, #tpu.memory_space<vmem_shared>> -> memref<632x64xf32, #tpu.memory_space<vmem_shared>>
      tpu.wait_dma2 semaphore(%run_scoped3A : memref<!tpu.dma_semaphore, #tpu.memory_space<semaphore_mem>>) src(%dma_wait3A_124 : memref<632x64xf32, #tpu.memory_space<vmem_shared>>) dst(%dma_wait3A_122 : memref<632x64xf32, #tpu.memory_space<hbm>>)
      tpu.yield
    }) : () -> ()
    return
  }
}

#map = affine_map<(d0, d1) -> (0, 0)>
#map1 = affine_map<(d0, d1) -> (0, 0, 0)>
module attributes {stable_mosaic.version = 14 : i64} {
  func.func @_sc_segment_sum_body(%arg0: i32, %arg1: i32, %arg2: memref<10112x64xf32, #tpu.memory_space<hbm>>, %arg3: memref<32x81x128xi32, #tpu.memory_space<hbm>>, %arg4: memref<32x81x128xi32, #tpu.memory_space<hbm>>, %arg5: memref<10112x64xf32, #tpu.memory_space<hbm>>, %arg6: memref<2x10112x64xf32, #tpu.memory_space<hbm>>, %arg7: memref<81x128xi32, #tpu.memory_space<vmem>>, %arg8: memref<81x128xi32, #tpu.memory_space<vmem>>, %arg9: memref<3x128x64xf32, #tpu.memory_space<vmem>>, %arg10: memref<10112x64xf32, #tpu.memory_space<vmem_shared>>, %arg11: memref<10112x64xf32, #tpu.memory_space<vmem_shared>>, %arg12: memref<!tpu.dma_semaphore, #tpu.memory_space<semaphore_mem>>, %arg13: memref<!tpu.dma_semaphore, #tpu.memory_space<semaphore_mem>>) attributes {dimension_semantics = [#tpu.dimension_semantics<core_parallel>, #tpu.dimension_semantics<subcore_parallel>], iteration_bounds = array<i64: 2, 16>, scalar_prefetch = 0 : i64, scratch_operands = 7 : i64, tpu.core_type = #tpu.core_type<sc_vector_subcore>, window_params = [{transform_indices = #map}, {transform_indices = #map1}, {transform_indices = #map1}, {transform_indices = #map}, {transform_indices = #map1}]} {
    %mul3A = arith.constant 2 : i32
    %mul3A_0 = arith.muli %arg1, %mul3A : i32
    %add3A = arith.addi %mul3A_0, %arg0 : i32
    %mul3A_1 = arith.constant 632 : i32
    %mul3A_2 = arith.muli %arg1, %mul3A_1 : i32
    %dma_start3A = arith.constant 0 : i32
    %dma_start3A_3 = arith.constant 0 : i32
    %dma_start3A_4 = tpu.memref_slice %arg3[%add3A, %dma_start3A, %dma_start3A_3] : memref<32x81x128xi32, #tpu.memory_space<hbm>> -> memref<1x81x128xi32, #tpu.memory_space<hbm>>
    %dma_start3A_5 = tpu.memref_squeeze %dma_start3A_4 : memref<1x81x128xi32, #tpu.memory_space<hbm>> -> memref<81x128xi32, #tpu.memory_space<hbm>>
    %dma_start3A_6 = arith.constant 0 : i32
    %dma_start3A_7 = arith.constant 0 : i32
    %dma_start3A_8 = tpu.memref_slice %arg3[%add3A, %dma_start3A_6, %dma_start3A_7] : memref<32x81x128xi32, #tpu.memory_space<hbm>> -> memref<1x81x128xi32, #tpu.memory_space<hbm>>
    %dma_start3A_9 = tpu.memref_squeeze %dma_start3A_8 : memref<1x81x128xi32, #tpu.memory_space<hbm>> -> memref<81x128xi32, #tpu.memory_space<hbm>>
    tpu.enqueue_dma source(%dma_start3A_9 : memref<81x128xi32, #tpu.memory_space<hbm>>) target(%arg7 : memref<81x128xi32, #tpu.memory_space<vmem>>) target_semaphore(%arg13 : memref<!tpu.dma_semaphore, #tpu.memory_space<semaphore_mem>>)
    %dma_start3A_10 = arith.constant 0 : i32
    %dma_start3A_11 = arith.constant 0 : i32
    %dma_start3A_12 = tpu.memref_slice %arg4[%add3A, %dma_start3A_10, %dma_start3A_11] : memref<32x81x128xi32, #tpu.memory_space<hbm>> -> memref<1x81x128xi32, #tpu.memory_space<hbm>>
    %dma_start3A_13 = tpu.memref_squeeze %dma_start3A_12 : memref<1x81x128xi32, #tpu.memory_space<hbm>> -> memref<81x128xi32, #tpu.memory_space<hbm>>
    %dma_start3A_14 = arith.constant 0 : i32
    %dma_start3A_15 = arith.constant 0 : i32
    %dma_start3A_16 = tpu.memref_slice %arg4[%add3A, %dma_start3A_14, %dma_start3A_15] : memref<32x81x128xi32, #tpu.memory_space<hbm>> -> memref<1x81x128xi32, #tpu.memory_space<hbm>>
    %dma_start3A_17 = tpu.memref_squeeze %dma_start3A_16 : memref<1x81x128xi32, #tpu.memory_space<hbm>> -> memref<81x128xi32, #tpu.memory_space<hbm>>
    tpu.enqueue_dma source(%dma_start3A_17 : memref<81x128xi32, #tpu.memory_space<hbm>>) target(%arg8 : memref<81x128xi32, #tpu.memory_space<vmem>>) target_semaphore(%arg13 : memref<!tpu.dma_semaphore, #tpu.memory_space<semaphore_mem>>)
    %dma_start3A_18 = arith.constant 0 : i32
    %dma_start3A_19 = tpu.memref_slice %arg10[%mul3A_2, %dma_start3A_18] : memref<10112x64xf32, #tpu.memory_space<vmem_shared>> -> memref<632x64xf32, #tpu.memory_space<vmem_shared>>
    %dma_start3A_20 = arith.constant 0 : i32
    %dma_start3A_21 = tpu.memref_slice %arg2[%mul3A_2, %dma_start3A_20] : memref<10112x64xf32, #tpu.memory_space<hbm>> -> memref<632x64xf32, #tpu.memory_space<hbm>>
    tpu.enqueue_dma source(%dma_start3A_21 : memref<632x64xf32, #tpu.memory_space<hbm>>) target(%dma_start3A_19 : memref<632x64xf32, #tpu.memory_space<vmem_shared>>) target_semaphore(%arg13 : memref<!tpu.dma_semaphore, #tpu.memory_space<semaphore_mem>>)
    %dma_start3A_22 = arith.constant 0 : i32
    %dma_start3A_23 = tpu.memref_slice %arg11[%mul3A_2, %dma_start3A_22] : memref<10112x64xf32, #tpu.memory_space<vmem_shared>> -> memref<632x64xf32, #tpu.memory_space<vmem_shared>>
    %dma_start3A_24 = arith.constant 0 : i32
    %dma_start3A_25 = tpu.memref_slice %arg5[%mul3A_2, %dma_start3A_24] : memref<10112x64xf32, #tpu.memory_space<hbm>> -> memref<632x64xf32, #tpu.memory_space<hbm>>
    tpu.enqueue_dma source(%dma_start3A_25 : memref<632x64xf32, #tpu.memory_space<hbm>>) target(%dma_start3A_23 : memref<632x64xf32, #tpu.memory_space<vmem_shared>>) target_semaphore(%arg13 : memref<!tpu.dma_semaphore, #tpu.memory_space<semaphore_mem>>)
    %dma_wait3A = arith.constant 0 : i32
    %dma_wait3A_26 = arith.constant 0 : i32
    %dma_wait3A_27 = tpu.memref_slice %arg3[%add3A, %dma_wait3A, %dma_wait3A_26] : memref<32x81x128xi32, #tpu.memory_space<hbm>> -> memref<1x81x128xi32, #tpu.memory_space<hbm>>
    %dma_wait3A_28 = tpu.memref_squeeze %dma_wait3A_27 : memref<1x81x128xi32, #tpu.memory_space<hbm>> -> memref<81x128xi32, #tpu.memory_space<hbm>>
    %dma_wait3A_29 = arith.constant 0 : i32
    %dma_wait3A_30 = arith.constant 0 : i32
    %dma_wait3A_31 = tpu.memref_slice %arg3[%add3A, %dma_wait3A_29, %dma_wait3A_30] : memref<32x81x128xi32, #tpu.memory_space<hbm>> -> memref<1x81x128xi32, #tpu.memory_space<hbm>>
    %dma_wait3A_32 = tpu.memref_squeeze %dma_wait3A_31 : memref<1x81x128xi32, #tpu.memory_space<hbm>> -> memref<81x128xi32, #tpu.memory_space<hbm>>
    tpu.wait_dma2 semaphore(%arg13 : memref<!tpu.dma_semaphore, #tpu.memory_space<semaphore_mem>>) src(%dma_wait3A_32 : memref<81x128xi32, #tpu.memory_space<hbm>>) dst(%arg7 : memref<81x128xi32, #tpu.memory_space<vmem>>)
    %dma_wait3A_33 = arith.constant 0 : i32
    %dma_wait3A_34 = arith.constant 0 : i32
    %dma_wait3A_35 = tpu.memref_slice %arg4[%add3A, %dma_wait3A_33, %dma_wait3A_34] : memref<32x81x128xi32, #tpu.memory_space<hbm>> -> memref<1x81x128xi32, #tpu.memory_space<hbm>>
    %dma_wait3A_36 = tpu.memref_squeeze %dma_wait3A_35 : memref<1x81x128xi32, #tpu.memory_space<hbm>> -> memref<81x128xi32, #tpu.memory_space<hbm>>
    %dma_wait3A_37 = arith.constant 0 : i32
    %dma_wait3A_38 = arith.constant 0 : i32
    %dma_wait3A_39 = tpu.memref_slice %arg4[%add3A, %dma_wait3A_37, %dma_wait3A_38] : memref<32x81x128xi32, #tpu.memory_space<hbm>> -> memref<1x81x128xi32, #tpu.memory_space<hbm>>
    %dma_wait3A_40 = tpu.memref_squeeze %dma_wait3A_39 : memref<1x81x128xi32, #tpu.memory_space<hbm>> -> memref<81x128xi32, #tpu.memory_space<hbm>>
    tpu.wait_dma2 semaphore(%arg13 : memref<!tpu.dma_semaphore, #tpu.memory_space<semaphore_mem>>) src(%dma_wait3A_40 : memref<81x128xi32, #tpu.memory_space<hbm>>) dst(%arg8 : memref<81x128xi32, #tpu.memory_space<vmem>>)
    %dma_wait3A_41 = arith.constant 0 : i32
    %dma_wait3A_42 = tpu.memref_slice %arg10[%mul3A_2, %dma_wait3A_41] : memref<10112x64xf32, #tpu.memory_space<vmem_shared>> -> memref<632x64xf32, #tpu.memory_space<vmem_shared>>
    %dma_wait3A_43 = arith.constant 0 : i32
    %dma_wait3A_44 = tpu.memref_slice %arg2[%mul3A_2, %dma_wait3A_43] : memref<10112x64xf32, #tpu.memory_space<hbm>> -> memref<632x64xf32, #tpu.memory_space<hbm>>
    tpu.wait_dma2 semaphore(%arg13 : memref<!tpu.dma_semaphore, #tpu.memory_space<semaphore_mem>>) src(%dma_wait3A_44 : memref<632x64xf32, #tpu.memory_space<hbm>>) dst(%dma_wait3A_42 : memref<632x64xf32, #tpu.memory_space<vmem_shared>>)
    %dma_wait3A_45 = arith.constant 0 : i32
    %dma_wait3A_46 = tpu.memref_slice %arg11[%mul3A_2, %dma_wait3A_45] : memref<10112x64xf32, #tpu.memory_space<vmem_shared>> -> memref<632x64xf32, #tpu.memory_space<vmem_shared>>
    %dma_wait3A_47 = arith.constant 0 : i32
    %dma_wait3A_48 = tpu.memref_slice %arg5[%mul3A_2, %dma_wait3A_47] : memref<10112x64xf32, #tpu.memory_space<hbm>> -> memref<632x64xf32, #tpu.memory_space<hbm>>
    tpu.wait_dma2 semaphore(%arg13 : memref<!tpu.dma_semaphore, #tpu.memory_space<semaphore_mem>>) src(%dma_wait3A_48 : memref<632x64xf32, #tpu.memory_space<hbm>>) dst(%dma_wait3A_46 : memref<632x64xf32, #tpu.memory_space<vmem_shared>>)
    %barrier3A = arith.constant 0 : index
    tpu.barrier barrier_id(%barrier3A)
    %dma_start3A_49 = arith.constant 0 : i32
    %dma_start3A_50 = arith.constant 0 : i32
    %dma_start3A_51 = arith.constant 0 : i32
    %dma_start3A_52 = arith.constant 0 : i32
    %dma_start3A_53 = tpu.memref_slice %arg9[%dma_start3A_50, %dma_start3A_51, %dma_start3A_52] : memref<3x128x64xf32, #tpu.memory_space<vmem>> -> memref<1x128x64xf32, #tpu.memory_space<vmem>>
    %dma_start3A_54 = tpu.memref_squeeze %dma_start3A_53 : memref<1x128x64xf32, #tpu.memory_space<vmem>> -> memref<128x64xf32, #tpu.memory_space<vmem>>
    %dma_start3A_55 = arith.constant 0 : i32
    %dma_start3A_56 = tpu.memref_slice %arg7[%dma_start3A_49, %dma_start3A_55] : memref<81x128xi32, #tpu.memory_space<vmem>> -> memref<1x128xi32, #tpu.memory_space<vmem>>
    %dma_start3A_57 = tpu.memref_squeeze %dma_start3A_56 : memref<1x128xi32, #tpu.memory_space<vmem>> -> memref<128xi32, #tpu.memory_space<vmem>>
    %dma_start3A_58 = arith.constant 0 : i32
    %dma_start3A_59 = arith.constant 0 : i32
    %dma_start3A_60 = tpu.memref_slice %arg10[%dma_start3A_58, %dma_start3A_59] : memref<10112x64xf32, #tpu.memory_space<vmem_shared>> -> memref<10112x64xf32, #tpu.memory_space<vmem_shared>>
    tpu.enqueue_indirect_dma source(%dma_start3A_60 : memref<10112x64xf32, #tpu.memory_space<vmem_shared>>) target(%dma_start3A_54 : memref<128x64xf32, #tpu.memory_space<vmem>>) offsets(%dma_start3A_57 : memref<128xi32, #tpu.memory_space<vmem>>) semaphore(%arg12 : memref<!tpu.dma_semaphore, #tpu.memory_space<semaphore_mem>>)
    %dma_start3A_61 = arith.constant 1 : i32
    %dma_start3A_62 = arith.constant 1 : i32
    %dma_start3A_63 = arith.constant 0 : i32
    %dma_start3A_64 = arith.constant 0 : i32
    %dma_start3A_65 = tpu.memref_slice %arg9[%dma_start3A_62, %dma_start3A_63, %dma_start3A_64] : memref<3x128x64xf32, #tpu.memory_space<vmem>> -> memref<1x128x64xf32, #tpu.memory_space<vmem>>
    %dma_start3A_66 = tpu.memref_squeeze %dma_start3A_65 : memref<1x128x64xf32, #tpu.memory_space<vmem>> -> memref<128x64xf32, #tpu.memory_space<vmem>>
    %dma_start3A_67 = arith.constant 0 : i32
    %dma_start3A_68 = tpu.memref_slice %arg7[%dma_start3A_61, %dma_start3A_67] : memref<81x128xi32, #tpu.memory_space<vmem>> -> memref<1x128xi32, #tpu.memory_space<vmem>>
    %dma_start3A_69 = tpu.memref_squeeze %dma_start3A_68 : memref<1x128xi32, #tpu.memory_space<vmem>> -> memref<128xi32, #tpu.memory_space<vmem>>
    %dma_start3A_70 = arith.constant 0 : i32
    %dma_start3A_71 = arith.constant 0 : i32
    %dma_start3A_72 = tpu.memref_slice %arg10[%dma_start3A_70, %dma_start3A_71] : memref<10112x64xf32, #tpu.memory_space<vmem_shared>> -> memref<10112x64xf32, #tpu.memory_space<vmem_shared>>
    tpu.enqueue_indirect_dma source(%dma_start3A_72 : memref<10112x64xf32, #tpu.memory_space<vmem_shared>>) target(%dma_start3A_66 : memref<128x64xf32, #tpu.memory_space<vmem>>) offsets(%dma_start3A_69 : memref<128xi32, #tpu.memory_space<vmem>>) semaphore(%arg12 : memref<!tpu.dma_semaphore, #tpu.memory_space<semaphore_mem>>)
    %scan3A = arith.constant 0 : i32
    %scan3A_73 = arith.constant 0 : i32
    %scan3A_74 = arith.constant 79 : i32
    %scan3A_75 = arith.addi %scan3A_73, %scan3A_74 : i32
    %scan3A_76 = arith.constant 1 : i32
    scf.for %scan3A_115 = %scan3A_73 to %scan3A_75 step %scan3A_76  : i32 {
      %ge3A = arith.constant 1 : i32
      %ge3A_116 = arith.cmpi sge, %scan3A_115, %ge3A : i32
      %convert_element_type3A = arith.extui %ge3A_116 : i1 to i32
      %cond3A = arith.constant 0 : i32
      %cond3A_117 = arith.cmpi ne, %convert_element_type3A, %cond3A : i32
      scf.if %cond3A_117 {
        %dma_wait3A_157 = arith.constant 0 : i32
        %dma_wait3A_158 = arith.constant 0 : i32
        %dma_wait3A_159 = arith.constant 0 : i32
        %dma_wait3A_160 = arith.constant 0 : i32
        %dma_wait3A_161 = tpu.memref_slice %arg9[%dma_wait3A_157, %dma_wait3A_159, %dma_wait3A_160] : memref<3x128x64xf32, #tpu.memory_space<vmem>> -> memref<1x128x64xf32, #tpu.memory_space<vmem>>
        %dma_wait3A_162 = tpu.memref_squeeze %dma_wait3A_161 : memref<1x128x64xf32, #tpu.memory_space<vmem>> -> memref<128x64xf32, #tpu.memory_space<vmem>>
        %dma_wait3A_163 = arith.constant 0 : i32
        %dma_wait3A_164 = tpu.memref_slice %arg8[%dma_wait3A_158, %dma_wait3A_163] : memref<81x128xi32, #tpu.memory_space<vmem>> -> memref<1x128xi32, #tpu.memory_space<vmem>>
        %dma_wait3A_165 = tpu.memref_squeeze %dma_wait3A_164 : memref<1x128xi32, #tpu.memory_space<vmem>> -> memref<128xi32, #tpu.memory_space<vmem>>
        %dma_wait3A_166 = arith.constant 0 : i32
        %dma_wait3A_167 = arith.constant 0 : i32
        %dma_wait3A_168 = tpu.memref_slice %arg11[%dma_wait3A_166, %dma_wait3A_167] : memref<10112x64xf32, #tpu.memory_space<vmem_shared>> -> memref<10112x64xf32, #tpu.memory_space<vmem_shared>>
        tpu.wait_indirect_dma semaphore(%arg13 : memref<!tpu.dma_semaphore, #tpu.memory_space<semaphore_mem>>) src(%dma_wait3A_162 : memref<128x64xf32, #tpu.memory_space<vmem>>) dst(%dma_wait3A_168 : memref<10112x64xf32, #tpu.memory_space<vmem_shared>>)
      } else {
      }
      %add3A_118 = arith.constant 2 : i32
      %add3A_119 = arith.addi %scan3A_115, %add3A_118 : i32
      %add3A_120 = arith.constant 2 : i32
      %add3A_121 = arith.addi %scan3A_115, %add3A_120 : i32
      %rem3A = arith.constant 3 : i32
      %rem3A_122 = arith.remsi %add3A_121, %rem3A : i32
      %dma_start3A_123 = arith.constant 0 : i32
      %dma_start3A_124 = arith.constant 0 : i32
      %dma_start3A_125 = tpu.memref_slice %arg9[%rem3A_122, %dma_start3A_123, %dma_start3A_124] : memref<3x128x64xf32, #tpu.memory_space<vmem>> -> memref<1x128x64xf32, #tpu.memory_space<vmem>>
      %dma_start3A_126 = tpu.memref_squeeze %dma_start3A_125 : memref<1x128x64xf32, #tpu.memory_space<vmem>> -> memref<128x64xf32, #tpu.memory_space<vmem>>
      %dma_start3A_127 = arith.constant 0 : i32
      %dma_start3A_128 = tpu.memref_slice %arg7[%add3A_119, %dma_start3A_127] : memref<81x128xi32, #tpu.memory_space<vmem>> -> memref<1x128xi32, #tpu.memory_space<vmem>>
      %dma_start3A_129 = tpu.memref_squeeze %dma_start3A_128 : memref<1x128xi32, #tpu.memory_space<vmem>> -> memref<128xi32, #tpu.memory_space<vmem>>
      %dma_start3A_130 = arith.constant 0 : i32
      %dma_start3A_131 = arith.constant 0 : i32
      %dma_start3A_132 = tpu.memref_slice %arg10[%dma_start3A_130, %dma_start3A_131] : memref<10112x64xf32, #tpu.memory_space<vmem_shared>> -> memref<10112x64xf32, #tpu.memory_space<vmem_shared>>
      tpu.enqueue_indirect_dma source(%dma_start3A_132 : memref<10112x64xf32, #tpu.memory_space<vmem_shared>>) target(%dma_start3A_126 : memref<128x64xf32, #tpu.memory_space<vmem>>) offsets(%dma_start3A_129 : memref<128xi32, #tpu.memory_space<vmem>>) semaphore(%arg12 : memref<!tpu.dma_semaphore, #tpu.memory_space<semaphore_mem>>)
      %dma_wait3A_133 = arith.constant 0 : i32
      %dma_wait3A_134 = arith.constant 0 : i32
      %dma_wait3A_135 = arith.constant 0 : i32
      %dma_wait3A_136 = arith.constant 0 : i32
      %dma_wait3A_137 = tpu.memref_slice %arg9[%dma_wait3A_134, %dma_wait3A_135, %dma_wait3A_136] : memref<3x128x64xf32, #tpu.memory_space<vmem>> -> memref<1x128x64xf32, #tpu.memory_space<vmem>>
      %dma_wait3A_138 = tpu.memref_squeeze %dma_wait3A_137 : memref<1x128x64xf32, #tpu.memory_space<vmem>> -> memref<128x64xf32, #tpu.memory_space<vmem>>
      %dma_wait3A_139 = arith.constant 0 : i32
      %dma_wait3A_140 = tpu.memref_slice %arg7[%dma_wait3A_133, %dma_wait3A_139] : memref<81x128xi32, #tpu.memory_space<vmem>> -> memref<1x128xi32, #tpu.memory_space<vmem>>
      %dma_wait3A_141 = tpu.memref_squeeze %dma_wait3A_140 : memref<1x128xi32, #tpu.memory_space<vmem>> -> memref<128xi32, #tpu.memory_space<vmem>>
      %dma_wait3A_142 = arith.constant 0 : i32
      %dma_wait3A_143 = arith.constant 0 : i32
      %dma_wait3A_144 = tpu.memref_slice %arg10[%dma_wait3A_142, %dma_wait3A_143] : memref<10112x64xf32, #tpu.memory_space<vmem_shared>> -> memref<10112x64xf32, #tpu.memory_space<vmem_shared>>
      tpu.wait_indirect_dma semaphore(%arg12 : memref<!tpu.dma_semaphore, #tpu.memory_space<semaphore_mem>>) src(%dma_wait3A_144 : memref<10112x64xf32, #tpu.memory_space<vmem_shared>>) dst(%dma_wait3A_138 : memref<128x64xf32, #tpu.memory_space<vmem>>)
      %rem3A_145 = arith.constant 3 : i32
      %rem3A_146 = arith.remsi %scan3A_115, %rem3A_145 : i32
      %dma_start3A_147 = arith.constant 0 : i32
      %dma_start3A_148 = arith.constant 0 : i32
      %dma_start3A_149 = tpu.memref_slice %arg9[%rem3A_146, %dma_start3A_147, %dma_start3A_148] : memref<3x128x64xf32, #tpu.memory_space<vmem>> -> memref<1x128x64xf32, #tpu.memory_space<vmem>>
      %dma_start3A_150 = tpu.memref_squeeze %dma_start3A_149 : memref<1x128x64xf32, #tpu.memory_space<vmem>> -> memref<128x64xf32, #tpu.memory_space<vmem>>
      %dma_start3A_151 = arith.constant 0 : i32
      %dma_start3A_152 = tpu.memref_slice %arg8[%scan3A_115, %dma_start3A_151] : memref<81x128xi32, #tpu.memory_space<vmem>> -> memref<1x128xi32, #tpu.memory_space<vmem>>
      %dma_start3A_153 = tpu.memref_squeeze %dma_start3A_152 : memref<1x128xi32, #tpu.memory_space<vmem>> -> memref<128xi32, #tpu.memory_space<vmem>>
      %dma_start3A_154 = arith.constant 0 : i32
      %dma_start3A_155 = arith.constant 0 : i32
      %dma_start3A_156 = tpu.memref_slice %arg11[%dma_start3A_154, %dma_start3A_155] : memref<10112x64xf32, #tpu.memory_space<vmem_shared>> -> memref<10112x64xf32, #tpu.memory_space<vmem_shared>>
      tpu.enqueue_indirect_dma source(%dma_start3A_150 : memref<128x64xf32, #tpu.memory_space<vmem>>) target(%dma_start3A_156 : memref<10112x64xf32, #tpu.memory_space<vmem_shared>>) offsets(%dma_start3A_153 : memref<128xi32, #tpu.memory_space<vmem>>) semaphore(%arg13 : memref<!tpu.dma_semaphore, #tpu.memory_space<semaphore_mem>>) {add = true}
    }
    %scan3A_77 = arith.constant 79 : i32
    %dma_wait3A_78 = arith.constant 0 : i32
    %dma_wait3A_79 = arith.constant 0 : i32
    %dma_wait3A_80 = arith.constant 0 : i32
    %dma_wait3A_81 = arith.constant 0 : i32
    %dma_wait3A_82 = tpu.memref_slice %arg9[%dma_wait3A_78, %dma_wait3A_80, %dma_wait3A_81] : memref<3x128x64xf32, #tpu.memory_space<vmem>> -> memref<1x128x64xf32, #tpu.memory_space<vmem>>
    %dma_wait3A_83 = tpu.memref_squeeze %dma_wait3A_82 : memref<1x128x64xf32, #tpu.memory_space<vmem>> -> memref<128x64xf32, #tpu.memory_space<vmem>>
    %dma_wait3A_84 = arith.constant 0 : i32
    %dma_wait3A_85 = tpu.memref_slice %arg8[%dma_wait3A_79, %dma_wait3A_84] : memref<81x128xi32, #tpu.memory_space<vmem>> -> memref<1x128xi32, #tpu.memory_space<vmem>>
    %dma_wait3A_86 = tpu.memref_squeeze %dma_wait3A_85 : memref<1x128xi32, #tpu.memory_space<vmem>> -> memref<128xi32, #tpu.memory_space<vmem>>
    %dma_wait3A_87 = arith.constant 0 : i32
    %dma_wait3A_88 = arith.constant 0 : i32
    %dma_wait3A_89 = tpu.memref_slice %arg11[%dma_wait3A_87, %dma_wait3A_88] : memref<10112x64xf32, #tpu.memory_space<vmem_shared>> -> memref<10112x64xf32, #tpu.memory_space<vmem_shared>>
    tpu.wait_indirect_dma semaphore(%arg13 : memref<!tpu.dma_semaphore, #tpu.memory_space<semaphore_mem>>) src(%dma_wait3A_83 : memref<128x64xf32, #tpu.memory_space<vmem>>) dst(%dma_wait3A_89 : memref<10112x64xf32, #tpu.memory_space<vmem_shared>>)
    %dma_wait3A_90 = arith.constant 0 : i32
    %dma_wait3A_91 = arith.constant 0 : i32
    %dma_wait3A_92 = arith.constant 0 : i32
    %dma_wait3A_93 = arith.constant 0 : i32
    %dma_wait3A_94 = tpu.memref_slice %arg9[%dma_wait3A_91, %dma_wait3A_92, %dma_wait3A_93] : memref<3x128x64xf32, #tpu.memory_space<vmem>> -> memref<1x128x64xf32, #tpu.memory_space<vmem>>
    %dma_wait3A_95 = tpu.memref_squeeze %dma_wait3A_94 : memref<1x128x64xf32, #tpu.memory_space<vmem>> -> memref<128x64xf32, #tpu.memory_space<vmem>>
    %dma_wait3A_96 = arith.constant 0 : i32
    %dma_wait3A_97 = tpu.memref_slice %arg7[%dma_wait3A_90, %dma_wait3A_96] : memref<81x128xi32, #tpu.memory_space<vmem>> -> memref<1x128xi32, #tpu.memory_space<vmem>>
    %dma_wait3A_98 = tpu.memref_squeeze %dma_wait3A_97 : memref<1x128xi32, #tpu.memory_space<vmem>> -> memref<128xi32, #tpu.memory_space<vmem>>
    %dma_wait3A_99 = arith.constant 0 : i32
    %dma_wait3A_100 = arith.constant 0 : i32
    %dma_wait3A_101 = tpu.memref_slice %arg10[%dma_wait3A_99, %dma_wait3A_100] : memref<10112x64xf32, #tpu.memory_space<vmem_shared>> -> memref<10112x64xf32, #tpu.memory_space<vmem_shared>>
    tpu.wait_indirect_dma semaphore(%arg12 : memref<!tpu.dma_semaphore, #tpu.memory_space<semaphore_mem>>) src(%dma_wait3A_101 : memref<10112x64xf32, #tpu.memory_space<vmem_shared>>) dst(%dma_wait3A_95 : memref<128x64xf32, #tpu.memory_space<vmem>>)
    %dma_wait3A_102 = arith.constant 0 : i32
    %dma_wait3A_103 = arith.constant 0 : i32
    %dma_wait3A_104 = arith.constant 0 : i32
    %dma_wait3A_105 = arith.constant 0 : i32
    %dma_wait3A_106 = tpu.memref_slice %arg9[%dma_wait3A_103, %dma_wait3A_104, %dma_wait3A_105] : memref<3x128x64xf32, #tpu.memory_space<vmem>> -> memref<1x128x64xf32, #tpu.memory_space<vmem>>
    %dma_wait3A_107 = tpu.memref_squeeze %dma_wait3A_106 : memref<1x128x64xf32, #tpu.memory_space<vmem>> -> memref<128x64xf32, #tpu.memory_space<vmem>>
    %dma_wait3A_108 = arith.constant 0 : i32
    %dma_wait3A_109 = tpu.memref_slice %arg7[%dma_wait3A_102, %dma_wait3A_108] : memref<81x128xi32, #tpu.memory_space<vmem>> -> memref<1x128xi32, #tpu.memory_space<vmem>>
    %dma_wait3A_110 = tpu.memref_squeeze %dma_wait3A_109 : memref<1x128xi32, #tpu.memory_space<vmem>> -> memref<128xi32, #tpu.memory_space<vmem>>
    %dma_wait3A_111 = arith.constant 0 : i32
    %dma_wait3A_112 = arith.constant 0 : i32
    %dma_wait3A_113 = tpu.memref_slice %arg10[%dma_wait3A_111, %dma_wait3A_112] : memref<10112x64xf32, #tpu.memory_space<vmem_shared>> -> memref<10112x64xf32, #tpu.memory_space<vmem_shared>>
    tpu.wait_indirect_dma semaphore(%arg12 : memref<!tpu.dma_semaphore, #tpu.memory_space<semaphore_mem>>) src(%dma_wait3A_113 : memref<10112x64xf32, #tpu.memory_space<vmem_shared>>) dst(%dma_wait3A_107 : memref<128x64xf32, #tpu.memory_space<vmem>>)
    %barrier3A_114 = arith.constant 0 : index
    tpu.barrier barrier_id(%barrier3A_114)
    "tpu.region"() ({
      %run_scoped3A = tpu.sem_alloc : memref<!tpu.dma_semaphore, #tpu.memory_space<semaphore_mem>>
      %dma_start3A_115 = arith.constant 0 : i32
      %dma_start3A_116 = tpu.memref_slice %arg6[%arg0, %mul3A_2, %dma_start3A_115] : memref<2x10112x64xf32, #tpu.memory_space<hbm>> -> memref<1x632x64xf32, #tpu.memory_space<hbm>>
      %dma_start3A_117 = tpu.memref_squeeze %dma_start3A_116 : memref<1x632x64xf32, #tpu.memory_space<hbm>> -> memref<632x64xf32, #tpu.memory_space<hbm>>
      %dma_start3A_118 = arith.constant 0 : i32
      %dma_start3A_119 = tpu.memref_slice %arg11[%mul3A_2, %dma_start3A_118] : memref<10112x64xf32, #tpu.memory_space<vmem_shared>> -> memref<632x64xf32, #tpu.memory_space<vmem_shared>>
      tpu.enqueue_dma source(%dma_start3A_119 : memref<632x64xf32, #tpu.memory_space<vmem_shared>>) target(%dma_start3A_117 : memref<632x64xf32, #tpu.memory_space<hbm>>) target_semaphore(%run_scoped3A : memref<!tpu.dma_semaphore, #tpu.memory_space<semaphore_mem>>)
      %dma_wait3A_120 = arith.constant 0 : i32
      %dma_wait3A_121 = tpu.memref_slice %arg6[%arg0, %mul3A_2, %dma_wait3A_120] : memref<2x10112x64xf32, #tpu.memory_space<hbm>> -> memref<1x632x64xf32, #tpu.memory_space<hbm>>
      %dma_wait3A_122 = tpu.memref_squeeze %dma_wait3A_121 : memref<1x632x64xf32, #tpu.memory_space<hbm>> -> memref<632x64xf32, #tpu.memory_space<hbm>>
      %dma_wait3A_123 = arith.constant 0 : i32
      %dma_wait3A_124 = tpu.memref_slice %arg11[%mul3A_2, %dma_wait3A_123] : memref<10112x64xf32, #tpu.memory_space<vmem_shared>> -> memref<632x64xf32, #tpu.memory_space<vmem_shared>>
      tpu.wait_dma2 semaphore(%run_scoped3A : memref<!tpu.dma_semaphore, #tpu.memory_space<semaphore_mem>>) src(%dma_wait3A_124 : memref<632x64xf32, #tpu.memory_space<vmem_shared>>) dst(%dma_wait3A_122 : memref<632x64xf32, #tpu.memory_space<hbm>>)
      tpu.yield
    }) : () -> ()
    return
  }
}

module attributes {stable_mosaic.version = 14 : i64} {
  func.func @_tc_mid_body(%arg0: memref<2x10112x64xf32, #tpu.memory_space<vmem>>, %arg1: memref<10000x128xf32, #tpu.memory_space<vmem>>, %arg2: memref<64x64xf32, #tpu.memory_space<vmem>>, %arg3: memref<1x64xf32, #tpu.memory_space<vmem>>, %arg4: memref<10112x64xf32, #tpu.memory_space<vmem>>) attributes {dimension_semantics = [], scalar_prefetch = 0 : i64, scratch_operands = 0 : i64, tpu.core_type = #tpu.core_type<tc>} {
    %get3A = arith.constant 0 : index
    %get3A_0 = arith.constant 0 : index
    %get3A_1 = arith.constant 0 : index
    %get3A_2 = vector.load %arg0[%get3A, %get3A_0, %get3A_1] : memref<2x10112x64xf32, #tpu.memory_space<vmem>>, vector<1x10112x64xf32>
    %get3A_3 = vector.shape_cast %get3A_2 : vector<1x10112x64xf32> to vector<10112x64xf32>
    %get3A_4 = arith.constant 1 : index
    %get3A_5 = arith.constant 0 : index
    %get3A_6 = arith.constant 0 : index
    %get3A_7 = vector.load %arg0[%get3A_4, %get3A_5, %get3A_6] : memref<2x10112x64xf32, #tpu.memory_space<vmem>>, vector<1x10112x64xf32>
    %get3A_8 = vector.shape_cast %get3A_7 : vector<1x10112x64xf32> to vector<10112x64xf32>
    %add3A = arith.addf %get3A_3, %get3A_8 : vector<10112x64xf32>
    %get3A_9 = arith.constant 0 : index
    %get3A_10 = arith.constant 0 : index
    %get3A_11 = vector.load %arg2[%get3A_9, %get3A_10] : memref<64x64xf32, #tpu.memory_space<vmem>>, vector<64x64xf32>
    %dot_general3A = arith.constant dense<0.000000e+00> : vector<10112x64xf32>
    %dot_general3A_12 = tpu.matmul %add3A, %get3A_11, %dot_general3A {dimension_numbers = #tpu.dot_dimension_numbers<[1], [0], [0], [1], [0, 0, 1, 1], [], []>, transpose_lhs_hint = false} : vector<10112x64xf32>, vector<64x64xf32>, vector<10112x64xf32> -> vector<10112x64xf32>
    %get3A_13 = arith.constant 0 : index
    %get3A_14 = arith.constant 0 : index
    %get3A_15 = vector.load %arg3[%get3A_13, %get3A_14] : memref<1x64xf32, #tpu.memory_space<vmem>>, vector<1x64xf32>
    %add3A_16 = vector.broadcast %get3A_15 : vector<1x64xf32> to vector<10112x64xf32>
    %add3A_17 = arith.addf %dot_general3A_12, %add3A_16 : vector<10112x64xf32>
    %tanh3A = math.tanh %add3A_17 : vector<10112x64xf32>
    %get3A_18 = arith.constant 0 : index
    %get3A_19 = arith.constant 0 : index
    %get3A_20 = vector.load %arg1[%get3A_18, %get3A_19] : memref<10000x128xf32, #tpu.memory_space<vmem>>, vector<10000x64xf32>
    %slice3A = vector.extract_strided_slice %tanh3A {offsets = [0, 0], sizes = [10000, 64], strides = [1, 1]} : vector<10112x64xf32> to vector<10000x64xf32>
    %add3A_21 = arith.addf %get3A_20, %slice3A : vector<10000x64xf32>
    %swap3A = arith.constant 0 : index
    %swap3A_22 = arith.constant 0 : index
    %swap3A_23 = vector.load %arg4[%swap3A, %swap3A_22] : memref<10112x64xf32, #tpu.memory_space<vmem>>, vector<10000x64xf32>
    tpu.vector_store %arg4[%swap3A, %swap3A_22], %add3A_21 {strides = array<i32>} : memref<10112x64xf32, #tpu.memory_space<vmem>>, vector<10000x64xf32>,
    %slice3A_24 = vector.extract_strided_slice %tanh3A {offsets = [10000, 0], sizes = [112, 64], strides = [1, 1]} : vector<10112x64xf32> to vector<112x64xf32>
    %swap3A_25 = arith.constant 10000 : index
    %swap3A_26 = arith.constant 0 : index
    %swap3A_27 = vector.load %arg4[%swap3A_25, %swap3A_26] : memref<10112x64xf32, #tpu.memory_space<vmem>>, vector<112x64xf32>
    tpu.vector_store %arg4[%swap3A_25, %swap3A_26], %slice3A_24 {strides = array<i32>} : memref<10112x64xf32, #tpu.memory_space<vmem>>, vector<112x64xf32>,
    return
  }
}

module attributes {stable_mosaic.version = 14 : i64} {
  func.func @_tc_final_body(%arg0: memref<2x10112x64xf32, #tpu.memory_space<vmem>>, %arg1: memref<10000x128xf32, #tpu.memory_space<vmem>>, %arg2: memref<10112x64xf32, #tpu.memory_space<vmem>>, %arg3: memref<64x64xf32, #tpu.memory_space<vmem>>, %arg4: memref<1x64xf32, #tpu.memory_space<vmem>>, %arg5: memref<10000x128xf32, #tpu.memory_space<vmem>>) attributes {dimension_semantics = [], scalar_prefetch = 0 : i64, scratch_operands = 0 : i64, tpu.core_type = #tpu.core_type<tc>} {
    %get3A = arith.constant 0 : index
    %get3A_0 = arith.constant 0 : index
    %get3A_1 = arith.constant 0 : index
    %get3A_2 = vector.load %arg0[%get3A, %get3A_0, %get3A_1] : memref<2x10112x64xf32, #tpu.memory_space<vmem>>, vector<1x10000x64xf32>
    %get3A_3 = vector.shape_cast %get3A_2 : vector<1x10000x64xf32> to vector<10000x64xf32>
    %get3A_4 = arith.constant 1 : index
    %get3A_5 = arith.constant 0 : index
    %get3A_6 = arith.constant 0 : index
    %get3A_7 = vector.load %arg0[%get3A_4, %get3A_5, %get3A_6] : memref<2x10112x64xf32, #tpu.memory_space<vmem>>, vector<1x10000x64xf32>
    %get3A_8 = vector.shape_cast %get3A_7 : vector<1x10000x64xf32> to vector<10000x64xf32>
    %add3A = arith.addf %get3A_3, %get3A_8 : vector<10000x64xf32>
    %get3A_9 = arith.constant 0 : index
    %get3A_10 = arith.constant 0 : index
    %get3A_11 = vector.load %arg3[%get3A_9, %get3A_10] : memref<64x64xf32, #tpu.memory_space<vmem>>, vector<64x64xf32>
    %dot_general3A = arith.constant dense<0.000000e+00> : vector<10000x64xf32>
    %dot_general3A_12 = tpu.matmul %add3A, %get3A_11, %dot_general3A {dimension_numbers = #tpu.dot_dimension_numbers<[1], [0], [0], [1], [0, 0, 1, 1], [], []>, transpose_lhs_hint = false} : vector<10000x64xf32>, vector<64x64xf32>, vector<10000x64xf32> -> vector<10000x64xf32>
    %get3A_13 = arith.constant 0 : index
    %get3A_14 = arith.constant 0 : index
    %get3A_15 = vector.load %arg4[%get3A_13, %get3A_14] : memref<1x64xf32, #tpu.memory_space<vmem>>, vector<1x64xf32>
    %add3A_16 = vector.broadcast %get3A_15 : vector<1x64xf32> to vector<10000x64xf32>
    %add3A_17 = arith.addf %dot_general3A_12, %add3A_16 : vector<10000x64xf32>
    %tanh3A = math.tanh %add3A_17 : vector<10000x64xf32>
    %get3A_18 = arith.constant 0 : index
    %get3A_19 = arith.constant 0 : index
    %get3A_20 = vector.load %arg2[%get3A_18, %get3A_19] : memref<10112x64xf32, #tpu.memory_space<vmem>>, vector<10000x64xf32>
    %swap3A = arith.constant 0 : index
    %swap3A_21 = arith.constant 0 : index
    %swap3A_22 = vector.load %arg5[%swap3A, %swap3A_21] : memref<10000x128xf32, #tpu.memory_space<vmem>>, vector<10000x64xf32>
    tpu.vector_store %arg5[%swap3A, %swap3A_21], %get3A_20 {strides = array<i32>} : memref<10000x128xf32, #tpu.memory_space<vmem>>, vector<10000x64xf32>,
    %get3A_23 = arith.constant 0 : index
    %get3A_24 = arith.constant 64 : index
    %get3A_25 = vector.load %arg1[%get3A_23, %get3A_24] : memref<10000x128xf32, #tpu.memory_space<vmem>>, vector<10000x64xf32>
    %add3A_26 = arith.addf %get3A_25, %tanh3A : vector<10000x64xf32>
    %swap3A_27 = arith.constant 0 : index
    %swap3A_28 = arith.constant 64 : index
    %swap3A_29 = vector.load %arg5[%swap3A_27, %swap3A_28] : memref<10000x128xf32, #tpu.memory_space<vmem>>, vector<10000x64xf32>
    tpu.vector_store %arg5[%swap3A_27, %swap3A_28], %add3A_26 {strides = array<i32>} : memref<10000x128xf32, #tpu.memory_space<vmem>>, vector<10000x64xf32>,
    return
  }
}

</mosaic_0001>

<sc_bundles>
// kernel: kernel.6.cloned.1.call-start
scs
__scs_entry_jumppad:
0x0: {  	(pc) =	sbr.rel $0x88, $3  }
0x1: {  	(tag) =	ssettag $0x0;
	lr =	simm.s32 $0x1  }
0x2: {  	[smem:$0x3F9B] =	sst lr;
	_ =	strace $0xD0000000  }
0x3: {  	_ = 	snop  }
0x4: {  	_ = 	snop  }
0x5: {  	_ = 	snop  }
0x6: {  	_ = 	snop  }
0x7: {  	_ = 	snop  }
__scs_overlays_trampoline_lowered:
0x8: {  	[smem:$0x3FAA] =	sst s0  }
0x9: {  	[smem:$0x3FAB] =	sst s1  }
0xa: {  	[smem:$0x3FAC] =	sst s2  }
0xb: {  	[smem:$0x3FAD] =	sst s3  }
0xc: {  	[smem:$0x3FAE] =	sst s4  }
0xd: {  	[smem:$0x3FAF] =	sst s5  }
0xe: {  	[smem:$0x3FB0] =	sst s6  }
0xf: {  	[smem:$0x3FB1] =	sst s7  }
0x10: {  	[smem:$0x3FB2] =	sst s8  }
0x11: {  	[smem:$0x3FB3] =	sst s9;
	s0 =	simm.s32 @!p0 $0x0  }
0x12: {  	s1 =	sld [smem:$0x3F99];
	s0 =	simm.s32 @p0 $0x1  }
0x13: {  	[smem:$0x3FB4] =	sst s0;
	s0 =	simm.s32 @!p1 $0x0  }
0x14: {  	s2 =	sld [smem:$0x3F98];
	s0 =	simm.s32 @p1 $0x1  }
0x15: {  	[smem:$0x3FB5] =	sst s0;
	s0 =	simm.s32 @!p2 $0x0  }
0x16: {  	s3 =	sld [smem:$0x3FDB];
	s0 =	simm.s32 @p2 $0x1  }
0x17: {  	s4 =	simm.s32 $0x1BF5;
	[smem:$0x3FB7] =	sst s0  }
0x18: {  	s0 =	sld [smem:$0x3F9A];
	_ =	swait.ge [sflag:s4], $0x0  }
0x19: {  	s7 =	sld [smem:$0x3F9B]  }
0x1a: {  	s8 =	sadd.s32 $0xFFFFE003, lr  }
0x1b: {  	s9 =	sadd.s32 $0xFFFFFEF7, lr;
	s5 =	simm.s32 $0xFFFFFFFF;
	p2 =	slt.u32 s8, $0xFFFFF086  }
0x1c: {  	p1 =	slt.u32 s9, $0xF7A;
	s5 =	simm.s32 @!p2 $0x0  }
0x1d: {  	s5 =	simm.s32 @p1 $0x1;
	p0 =	seq.s32 s7, s2  }
0x1e: {  	s7 =	smul.u32 @!p0 $0xF7A, s2;
	p2 =	seq.s32 @!p0 s5, $0x0  }
0x1f: {  	s9 =	smul.u32 $0xF7A, s1;
	s8 =	simm.s32 @!p0 $0x1BF5;
	p2 =	por !p2, p0  }
0x20: {  	[sflag:s8] =	ssyncset.s32 @!p0 $0xFFFFF086;
	s6 =	sadd.s32 @!p0 s3, s7;
	s7 =	simm.s32 @!p0 $0x108  }
0x21: {  	s3 =	sadd.s32 s3, s9;
	s6 =	sadd.s32 @!p0 $0x88, s6;
	s7 =	simm.s32 @p2 $0x1082  }
0x22: {  	[simem:s7], [sflag:s8] =	dma.local @!p0 [hbm:s6], $0xF7A  }
0x23: {  	s9 =	sor.u32 $0xD0000000, s2;
	s6 =	simm.s32 $0x108;
	_ =	swait.ge @!p0 [sflag:s8], $0x0  }
0x24: {  	s3 =	sadd.s32 $0x88, s3;
	s6 =	simm.s32 @!p1 $0x1082;
	[sflag:s4] =	ssyncset.s32 $0xFFFFF086  }
0x25: {  	[simem:s6], [sflag:s4] =	dma.local [hbm:s3], $0xF7A  }
0x26: {  	[smem:$0x3F9B] =	sst s1;
	(tag) =	ssettag s2;
	_ =	strace s9  }
0x27: {  	s1 =	sld [smem:$0x3FAB]  }
0x28: {  	s2 =	sld [smem:$0x3FAC]  }
0x29: {  	s4 =	sld [smem:$0x3FAE]  }
0x2a: {  	p0 =	seq.s32 s5, $0x0;
	s5 =	sld [smem:$0x3FAF]  }
0x2b: {  	s6 =	sld [smem:$0x3FB0]  }
0x2c: {  	s7 =	sld [smem:$0x3FB1]  }
0x2d: {  	s3 =	simm.s32 $0x108;
	s8 =	sld [smem:$0x3FB2]  }
0x2e: {  	s3 =	simm.s32 @!p0 $0x1082;
	s9 =	sld [smem:$0x3FB3]  }
0x2f: {  	lr =	sadd.s32 s0, s3;
	s0 =	sld [smem:$0x3FAA]  }
0x30: {  	s3 =	sld [smem:$0x3FAD]  }
0x31: {  	[smem:$0x3FB6] =	sst s10  }
0x32: {  	s10 =	sld [smem:$0x3FB4];
	_ =	sdelay $0x3  }
0x33: {  	p0 =	seq.s32 s10, $0x1;
	s10 =	sld [smem:$0x3FB6];
	_ =	sdelay $0x3  }
0x34: {  	[smem:$0x3FB6] =	sst s10  }
0x35: {  	s10 =	sld [smem:$0x3FB5];
	_ =	sdelay $0x3  }
0x36: {  	p1 =	seq.s32 s10, $0x1;
	s10 =	sld [smem:$0x3FB6];
	_ =	sdelay $0x3  }
0x37: {  	[smem:$0x3FB6] =	sst s10  }
0x38: {  	s10 =	sld [smem:$0x3FB7]  }
0x39: {  	_ = 	snop;
	(pc) =	sbr.ind lr, $3  }
0x3a: {  	_ = 	snop  }
0x3b: {  	_ = 	snop  }
0x3c: {  	p2 =	seq.s32 s10, $0x1;
	s10 =	sld [smem:$0x3FB6]  }
0x3d: {  	_ =	shalt  }
0x3e: {  	_ =	shalt  }
0x3f: {  	_ =	shalt  }
0x40: {  	_ =	shalt  }
0x41: {  	_ =	shalt  }
0x42: {  	_ =	shalt  }
0x43: {  	_ =	shalt  }
0x44: {  	_ =	shalt  }
0x45: {  	_ =	shalt  }
0x46: {  	_ =	shalt  }
0x47: {  	_ =	shalt  }
0x48: {  	_ =	shalt  }
0x49: {  	_ =	shalt  }
0x4a: {  	_ =	shalt  }
0x4b: {  	_ =	shalt  }
0x4c: {  	_ =	shalt  }
0x4d: {  	_ =	shalt  }
0x4e: {  	_ =	shalt  }
0x4f: {  	_ =	shalt  }
0x50: {  	_ =	shalt  }
0x51: {  	_ =	shalt  }
0x52: {  	_ =	shalt  }
0x53: {  	_ =	shalt  }
0x54: {  	_ =	shalt  }
0x55: {  	_ =	shalt  }
0x56: {  	_ =	shalt  }
0x57: {  	_ =	shalt  }
0x58: {  	_ =	shalt  }
0x59: {  	_ =	shalt  }
0x5a: {  	_ =	shalt  }
0x5b: {  	_ =	shalt  }
0x5c: {  	_ =	shalt  }
0x5d: {  	_ =	shalt  }
0x5e: {  	_ =	shalt  }
0x5f: {  	_ =	shalt  }
0x60: {  	_ =	shalt  }
0x61: {  	_ =	shalt  }
0x62: {  	_ =	shalt  }
0x63: {  	_ =	shalt  }
0x64: {  	_ =	shalt  }
0x65: {  	_ =	shalt  }
0x66: {  	_ =	shalt  }
0x67: {  	_ =	shalt  }
0x68: {  	_ =	shalt  }
0x69: {  	_ =	shalt  }
0x6a: {  	_ =	shalt  }
0x6b: {  	_ =	shalt  }
0x6c: {  	_ =	shalt  }
0x6d: {  	_ =	shalt  }
0x6e: {  	_ =	shalt  }
0x6f: {  	_ =	shalt  }
0x70: {  	_ =	shalt  }
0x71: {  	_ =	shalt  }
0x72: {  	_ =	shalt  }
0x73: {  	_ =	shalt  }
0x74: {  	_ =	shalt  }
0x75: {  	_ =	shalt  }
0x76: {  	_ =	shalt  }
0x77: {  	_ =	shalt  }
0x78: {  	_ =	shalt  }
0x79: {  	_ =	shalt  }
0x7a: {  	_ =	shalt  }
0x7b: {  	_ =	shalt  }
0x7c: {  	_ =	shalt  }
0x7d: {  	_ =	shalt  }
0x7e: {  	_ =	shalt  }
0x7f: {  	_ =	shalt  }
0x80: {  	_ =	shalt  }
0x81: {  	_ =	shalt  }
0x82: {  	_ =	shalt  }
0x83: {  	_ =	shalt  }
0x84: {  	_ =	shalt  }
0x85: {  	_ =	shalt  }
0x86: {  	_ =	shalt  }
0x87: {  	_ =	shalt  }
.Lfunc_end0:
.L_simem_size_0:
called_computation_lowered:
.L_overlay_start_0:
0x88: {  	s2 =	sld [smem:$0x3FD9]  }
0x89: {  	s3 =	sld [smem:$0x3FFE];
	_ =	sdelay $0x1  }
0x8a: {  	s1 =	srdreg.scid  }
0x8b: {  	s0 =	sand.u32 $0x1, s1  }
0x8c: {  	s17 =	sshll.u32 s0, $0xA;
	s2 =	sadd.s32 s3, s2  }
0x8d: {  	s2 =	sadd.s32 s2, s17  }
0x8e: {  	[smem:$0x3FC2] =	sst s2  }
0x8f: {  	_ = 	snop  }
0x90: {  	s2 =	sld [smem:$0x3FD0];
	(tm) =	ssettm $0x1  }
0x91: {  	s18 =	sld [smem:$0x3FFB];
	_ =	sdelay $0x3  }
0x92: {  	_ =	strace s18  }
0x93: {  	s3 =	sld [smem:$0x3FFC];
	_ =	sdelay $0x3  }
0x94: {  	_ =	strace s3  }
0x95: {  	s3 =	sld [smem:$0x3FFD];
	_ =	sdelay $0x3  }
0x96: {  	_ =	strace s3  }
0x97: {  	_ =	strace $0x8FFFFFFF  }
0x98: {  	s19 =	sld [smem:$0x3FDB];
	_ =	sdelay $0x1  }
0x99: {  	s4 =	simm.s32 $_scs_section_size  }
0x9a: {  	s5 =	simm.s32 $_size__tile_overlayer_lowered;
	s6 =	simm.s32 $_tile_overlayer_lowered  }
0x9b: {  	s22 =	simm.s32 $0x1BFF;
	s21 =	sshll.u32 s6, $0x1;
	s3 =	sadd.s32 s4, s19  }
0x9c: {  	s7 =	simm.s32 $0x0;
	s20 =	sshll.u32 s5, $0x1;
	s5 =	sadd.s32 s21, s3  }
0x9d: {  	[timem:s7], [sflag:s22] =	dma.local [hbm:s5], s20  }
0x9e: {  	_ =	swait.ge [sflag:s22], s20  }
0x9f: {  	s4 =	ssub.s32 $0x0, s20;
	[sflag:s22] =	ssyncset.done $0x0  }
0xa0: {  	[sflag:s22] =	ssyncadd.s32 s4;
	_ =	sdelay $0x1  }
0xa1: {  	s23 =	simm.s32 $0x1B8B  }
0xa2: {  	_ =	swait.ge [sflag:s23], $0x1  }
0xa3: {  	[sflag:s23] =	ssyncset.done $0x0  }
0xa4: {  	s25 =	simm.s32 $0x1B8E;
	s24 =	sld [smem:$0x3FFE];
	[sflag:s23] =	ssyncadd.s32 $0xFFFFFFFF  }
0xa5: {  	s26 =	simm.s32 $execute0_lowered;
	[smem:$0x3FD2] =	sst s25  }
0xa6: {  	s5 =	sshll.u32 s26, $0x1;
	_ =	strace $0x80000046;
	[dreg:$0x1] =	wrdreg $0xFFFFFFFF  }
0xa7: {  	s28 =	simm.s32 $_size_execute0_lowered;
	s3 =	sadd.s32 s3, s5;
	[dreg:$0x0] =	wrdreg $0x0  }
0xa8: {  	s5 =	sshll.u32 s28, $0x1;
	[dreg:$0x2] =	wrdreg s3  }
0xa9: {  	[dreg:$0x3] =	wrdreg s5  }
0xaa: {  	[dreg:$0x4] =	wrdreg $0xC0  }
0xab: {  	_ =	task [dreg:s7], $0x5FFFF  }
0xac: {  	[dreg:$0x1] =	wrdreg $0xFFFFFFFF  }
0xad: {  	[dreg:$0x0] =	wrdreg $0x60  }
0xae: {  	[dreg:$0x2] =	wrdreg s2  }
0xaf: {  	[dreg:$0x3] =	wrdreg s24  }
0xb0: {  	[dreg:$0x4] =	wrdreg $0xB1000  }
0xb1: {  	[dreg:$0x5] =	wrdreg $0x14F000  }
0xb2: {  	[dreg:$0x6] =	wrdreg $0x9  }
0xb3: {  	_ =	task.clear_ibuf [dreg:s7], $0x7FFFF;
	_ =	strace $0x90000046  }
0xb4: {  	s29 =	simm.s32 $0x9;
	_ =	strace $0x80000048  }
0xb5: {  	_ =	swait.ge [sflag:s29], $0x1  }
0xb6: {  	[sflag:s29] =	ssyncadd.s32 $0xFFFFFFFF  }
0xb7: {  	_ =	strace $0x90000048  }
0xb8: {  	_ =	sfence  }
0xb9: {  	s30 =	sld [smem:$0x0];
	_ =	sdelay $0x2  }
0xba: {  	s31 =	sshll.u32 s1, $0xD;
	s1 =	sshrl.u32 s1, $0x2  }
0xbb: {  	s3 =	sand.u32 $0x4000, s31;
	s1 =	sadd.s32 s1, s30  }
0xbc: {  	s0 =	sor.u32 s3, s0;
	s1 =	sshll.u32 s1, $0x11  }
0xbd: {  	s0 =	sor.u32 s1, s0  }
0xbe: {  	s0 =	sadd.s32 $0x8F2B, s0  }
0xbf: {  	[sflag:s0] =	ssyncadd.remote.s32 $0x1  }
0xc0: {  	_ =	sfence.sel $0xFFFF  }
0xc1: {  	[dreg:$0x0] =	wrdreg $0xFFFFFFFF;
	(pc) =	sbr.abs _section_cstart, $3  }
0xc2: {  	[dreg:$0x1] =	wrdreg $0xFFFFFFFF  }
0xc3: {  	_ =	task.clear_ibuf [dreg:s7], $0x2FFFF;
	_ =	strace $0x9FFFFFFF  }
0xc4: {  	(tm) =	ssettm $0x7FFFFFFF  }
0xc5: {  	_ =	shalt  }
tec
execute0_lowered:
.L_overlay_start_1:
0x0: {  	(tag) =	ssettag $0x1  }
0x1: {  	s7 =	rddreg [dreg:$0x0]  }
0x2: {  	s6 =	rddreg [dreg:$0x1]  }
0x3: {  	s1 =	srdreg.scid;
	s2 =	rddreg [dreg:$0x2]  }
0x4: {  	s0 =	stileid.u32;
	s3 =	rddreg [dreg:$0x3]  }
0x5: {  	s4 =	simm.s32 $0x0;
	s16 =	simm.s32 $0x5100;
	s17 =	simm.s32 $0x7100  }
0x6: {  	s18 =	simm.s32 $0x1;
	s20 =	simm.s32 $0x3;
	s21 =	simm.s32 $0x0  }
0x7: {  	s5 =	sand.u32 $0x1, s1;
	s30 =	sshll.u32 s0, $0x1;
	s9 =	smul.u32 $0x9E00, s0  }
0x8: {  	[smem:$0x7FF] =	sst s4;
	s1 =	sor.u32 s5, s30;
	s10 =	smul.u32 $0x9E000, s5  }
0x9: {  	s19 =	sshll.u32 s0, $0x6;
	s5 =	ssub.s32 $0x2, s5;
	s8 =	smul.u32 $0x510, s1  }
0xa: {  	s1 =	rddreg [dreg:$0x4];
	_ =	strace $0x80000047;
	s11 =	sshrl.u32 s9, $0x3  }
0xb: {  	s31 =	sshrl.u32 s5, $0x1;
	s14 =	sadd.s32 s9, s2;
	s15 =	sadd.s32 s9, s3  }
0xc: {  	s10 =	sadd.s32 s9, s10;
	s12 =	sadd.s32 s11, s6;
	s13 =	ssub.s32 s5, s31  }
0xd: {  	s7 =	sadd.s32 s7, s11;
	s8 =	sadd.s32 s8, s6;
	s10 =	sshrl.u32 s10, $0x3  }
0xe: {  	s9 =	sadd.s32 $0x15400, s12;
	s11 =	smax.u32 s13, $0x1;
	s12 =	sshrl.u32 s14, $0x3  }
0xf: {  	s13 =	sshrl.u32 s15, $0x3;
	s14 =	simm.s32 $0x2;
	s15 =	simm.s32 $0x80  }
0x10: {  	s10 =	sadd.s32 s10, s6;
	s5 =	sadd.s32 $0xB200, s8;
	s6 =	sadd.s32 $0x1000, s8  }
0x11: {  	s8 =	sor.u32 $0x1C02, s19;
	s19 =	sor.u32 $0x1C03, s19;
	s10 =	sadd.s32 $0x29000, s10  }
.LBB2_1:
0x12: {  	[tilespmem:s4], [sflag:$0x2] =	stream.linear.gather [hbm4b:s5+s4], $0x2880, $0x38;
	[tilespmem:$0x1ED00] =	vst v63  }
0x13: {  	s22 =	simm.s32 $0x2880  }
0x14: {  	[tilespmem:s22], [sflag:$0x2] =	stream.linear.gather [hbm4b:s6+s4], $0x2880, $0x38;
	[tilespmem:$0x1ED00] =	vst v63  }
0x15: {  	[spmem:s12], [sflag:s8] =	dma.local [hbm:s7], $0x13C0  }
0x16: {  	[spmem:s13], [sflag:s8] =	dma.local [hbm:s9], $0x13C0  }
0x17: {  	_ =	swait.ge [sflag:s14], $0x2880  }
0x18: {  	[sflag:s14] =	ssyncset.done $0x0  }
0x19: {  	[sflag:s14] =	ssyncadd.s32 $0xFFFFD780  }
0x1a: {  	_ =	swait.ge [sflag:s14], $0x2880  }
0x1b: {  	[sflag:s14] =	ssyncset.done $0x0  }
0x1c: {  	s23 =	smul.u32 $0xAB, s4;
	[sflag:s14] =	ssyncadd.s32 $0xFFFFD780  }
0x1d: {  	s28 =	simm.s32 $0x100;
	_ =	swait.ge [sflag:s14], $0x13C0  }
0x1e: {  	s24 =	sshrl.u32 s23, $0x9;
	s23 =	sadd.s32 $0x156, s23;
	[sflag:s14] =	ssyncset.done $0x0  }
0x1f: {  	s24 =	sand.u32 $0x7F, s24;
	s23 =	sshrl.u32 s23, $0x9;
	[sflag:s14] =	ssyncadd.s32 $0xFFFFEC40  }
0x20: {  	s25 =	smul.u32 $0x3, s24;
	s23 =	sand.u32 $0x7F, s23;
	_ =	swait.ge [sflag:s14], $0x13C0  }
0x21: {  	p0 =	por $0x1, $0x1;
	s26 =	smul.u32 $0x3, s23;
	[sflag:s14] =	ssyncset.done $0x0  }
0x22: {  	s29 =	simm.s32 @!p0 $0x2;
	s24 =	simm.s32 $0x2;
	[sflag:s14] =	ssyncadd.s32 $0xFFFFEC40  }
0x23: {  	s25 =	ssub.s32 $0x0, s25;
	s26 =	ssub.s32 $0x0, s26;
	[bflag:$0x0] =	sbarrier.arrive $0xFFFF  }
0x24: {  	[tilespmem:s16], [sflag:$0x1] =	stream.indirect.gather [spmem:s2], $0x40, s4, s15, $0xb8;
	[tilespmem:$0x1ED00] =	vst v63  }
0x25: {  	s23 =	simm.s32 $0x1;
	s25 =	sand.u32 $0xFF, s25;
	s26 =	sadd.s32 $0x2, s26  }
0x26: {  	[tilespmem:s17], [sflag:$0x1] =	stream.indirect.gather [spmem:s2], $0x40, s15, s15, $0xb8;
	[tilespmem:$0x1ED00] =	vst v63  }
0x27: {  	s25 =	sshll.u32 s25, $0xD;
	s30 =	sand.u32 $0xFF, s26;
	_ =	swait.ge @!p0 [sflag:s29], $0x2000  }
0x28: {  	s26 =	sadd.s32 $0x5100, s25;
	s25 =	sshll.u32 s30, $0xD;
	[sflag:s29] =	ssyncset.done @!p0 $0x0  }
0x29: {  	s31 =	smul.u32 $0xAB, s23;
	s25 =	sadd.s32 $0x5100, s25;
	[sflag:s29] =	ssyncadd.s32 @!p0 $0xFFFFE000  }
0x2a: {  	[tilespmem:s25], [sflag:$0x1] =	stream.indirect.gather [spmem:s2], $0x40, s28, s15, $0xb8;
	[tilespmem:$0x1ED00] =	vst v63  }
0x2b: {  	s29 =	sadd.s32 $0x156, s31;
	s28 =	sshrl.u32 s31, $0x9;
	_ =	swait.ge [sflag:s18], $0x2000  }
0x2c: {  	s25 =	simm.s32 $0x180;
	s28 =	sand.u32 $0x7F, s28;
	[sflag:s18] =	ssyncset.done $0x0  }
0x2d: {  	s29 =	sshrl.u32 s29, $0x9;
	s28 =	smul.u32 $0x3, s28;
	[sflag:s18] =	ssyncadd.s32 $0xFFFFE000  }
.LBB2_2:
0x2e: {  	s29 =	sand.u32 $0x7F, s29;
	s30 =	smov.u32 s23;
	s23 =	smov.u32 s24  }
0x2f: {  	s24 =	sadd.s32 $0x1, s24;
	s31 =	smov.u32 s22;
	s22 =	sadd.s32 $0x80, s22  }
0x30: {  	p0 =	sne.s32 s24, $0x4F;
	s29 =	smul.u32 $0x3, s29;
	s28 =	ssub.s32 s30, s28  }
0x31: {  	[spmem:s3] =	stream.indirect.scatter.add.f32 [tilespmem:s26], [sflag:$0x2], $0x40, s31, s15, $0xb8;
	[tilespmem:$0x1ED00] =	vst v63  }
0x32: {  	p1 =	seq.s32 s30, $0x0;
	s28 =	sand.u32 $0xFF, s28;
	s26 =	ssub.s32 s30, s29  }
0x33: {  	s29 =	simm.s32 @!p1 $0x2;
	s28 =	sshll.u32 s28, $0xD;
	s26 =	sadd.s32 $0x2, s26  }
0x34: {  	_ =	swait.ge @!p1 [sflag:s29], $0x2000;
	s30 =	sand.u32 $0xFF, s26;
	s26 =	sadd.s32 $0x5100, s28  }
0x35: {  	s28 =	smul.u32 $0xAB, s23;
	[sflag:s29] =	ssyncset.done @!p1 $0x0;
	s30 =	sshll.u32 s30, $0xD  }
.Ltmp0:
0x36: {  	[sflag:s29] =	ssyncadd.s32 @!p1 $0xFFFFE000;
	s29 =	sadd.s32 $0x5100, s30;
	(pc) =	sbr.rel @p0 .LBB2_2-.Ltmp0, $4  }
0x37: {  	[tilespmem:s29], [sflag:$0x1] =	stream.indirect.gather [spmem:s2], $0x40, s25, s15, $0xb8;
	[tilespmem:$0x1ED00] =	vst v63  }
0x38: {  	s29 =	sshrl.u32 s28, $0x9;
	s25 =	sadd.s32 $0x80, s25;
	_ =	swait.ge [sflag:s18], $0x2000  }
0x39: {  	s28 =	sadd.s32 $0x156, s28;
	s30 =	sand.u32 $0x7F, s29;
	[sflag:s18] =	ssyncset.done $0x0  }
0x3a: {  	s29 =	sshrl.u32 s28, $0x9;
	s28 =	smul.u32 $0x3, s30;
	[sflag:s18] =	ssyncadd.s32 $0xFFFFE000  }
0x3b: {  	s24 =	sand.u32 $0x7F, s29  }
0x3c: {  	s24 =	smul.u32 $0x3, s24  }
0x3d: {  	[spmem:s3] =	stream.indirect.scatter.add.f32 [tilespmem:s26], [sflag:$0x2], $0x40, s22, s15, $0xb8;
	[tilespmem:$0x1ED00] =	vst v63  }
0x3e: {  	p0 =	seq.s32 s23, $0x0;
	s24 =	ssub.s32 s23, s24  }
0x3f: {  	s26 =	simm.s32 @!p0 $0x2;
	s24 =	sadd.s32 $0x2, s24  }
0x40: {  	_ =	swait.ge @!p0 [sflag:s26], $0x2000;
	s24 =	sand.u32 $0xFF, s24  }
0x41: {  	[sflag:s26] =	ssyncset.done @!p0 $0x0;
	s24 =	sshll.u32 s24, $0xD  }
0x42: {  	s30 =	ssub.s32 s23, s28;
	[sflag:s26] =	ssyncadd.s32 @!p0 $0xFFFFE000;
	s24 =	sadd.s32 $0x5100, s24  }
0x43: {  	[tilespmem:s24], [sflag:$0x1] =	stream.indirect.gather [spmem:s2], $0x40, s25, s15, $0xb8;
	[tilespmem:$0x1ED00] =	vst v63  }
0x44: {  	s23 =	sand.u32 $0xFF, s30;
	_ =	swait.ge [sflag:s18], $0x2000  }
0x45: {  	s23 =	sshll.u32 s23, $0xD;
	[sflag:s18] =	ssyncset.done $0x0  }
0x46: {  	s31 =	sadd.s32 $0x80, s22;
	s23 =	sadd.s32 $0x5100, s23;
	[sflag:s18] =	ssyncadd.s32 $0xFFFFE000  }
0x47: {  	[spmem:s3] =	stream.indirect.scatter.add.f32 [tilespmem:s23], [sflag:$0x2], $0x40, s31, s15, $0xb8;
	[tilespmem:$0x1ED00] =	vst v63  }
0x48: {  	_ =	swait.ge [sflag:s14], $0x2000  }
0x49: {  	[sflag:s14] =	ssyncset.done $0x0  }
0x4a: {  	[sflag:s14] =	ssyncadd.s32 $0xFFFFE000  }
0x4b: {  	_ =	swait.ge [sflag:s18], $0x2000  }
0x4c: {  	[sflag:s18] =	ssyncset.done $0x0  }
0x4d: {  	[sflag:s18] =	ssyncadd.s32 $0xFFFFE000  }
0x4e: {  	_ =	swait.ge [sflag:s18], $0x2000  }
0x4f: {  	s21 =	sadd.s32 $0x1, s21;
	[sflag:s18] =	ssyncset.done $0x0  }
0x50: {  	p0 =	sne.s32 s21, s11;
	[sflag:s18] =	ssyncadd.s32 $0xFFFFE000  }
.Ltmp1:
0x51: {  	[bflag:$0x0] =	sbarrier.arrive $0xFFFF;
	(pc) =	sbr.rel @p0 .LBB2_1-.Ltmp1, $4  }
0x52: {  	[hbm:s10], [sflag:s19] =	dma.local [spmem:s13], $0x13C0  }
0x53: {  	_ =	swait.ge [sflag:s20], $0x13C0  }
0x54: {  	[sflag:s20] =	ssyncset.done $0x0  }
0x55: {  	[sflag:s20] =	ssyncadd.s32 $0xFFFFEC40  }
0x56: {  	_ =	sfence.sel $0x180000  }
0x57: {  	[bflag:$0x0] =	sbarrier.arrive $0xFFFF  }
0x58: {  	p0 =	sne.s32 s0, $0x0;
	_ =	strace $0x90000047  }
0x59: {  	s0 =	sadd.s32 @!p0 $0x100000, s1;
	[bflag:$0x2] =	sbarrier.arrive $0xFFFF  }
0x5a: {  	[sflag:s0] =	ssyncadd.tile.s32 @!p0 $0x1;
	_ =	shalt  }
.Lfunc_end2:
_tile_overlayer_lowered:
.L_overlay_start_2:
0x5b: {  	(tag) =	ssettag $0x2  }
0x5c: {  	s0 =	rddreg [dreg:$0x0];
	s2 =	stileid.u32  }
0x5d: {  	s1 =	rddreg [dreg:$0x1];
	p0 =	sne.s32 s2, $0x0  }
0x5e: {  	s3 =	rddreg [dreg:$0x2];
	[bflag:$0x3] =	sbarrier.arrive $0xFFFF;
	s2 =	simm.s32 @!p0 $0x1C03  }
0x5f: {  	[timem:s3], [sflag:s2] =	dma.local @!p0 [hbm:s0], s1  }
0x60: {  	s0 =	simm.s32 @!p0 $0x3  }
0x61: {  	_ =	swait.ge @!p0 [sflag:s0], s1  }
0x62: {  	s1 =	ssub.s32 @!p0 $0x0, s1;
	[sflag:s0] =	ssyncset.done @!p0 $0x0  }
0x63: {  	[sflag:s0] =	ssyncadd.s32 @!p0 s1  }
0x64: {  	[bflag:$0x3] =	sbarrier.arrive $0xFFFF  }
0x65: {  	_ =	shalt  }

// kernel: kernel.9.cloned.1.call-start
scs
__scs_entry_jumppad:
0x0: {  	(pc) =	sbr.rel $0x88, $3  }
0x1: {  	(tag) =	ssettag $0x0;
	lr =	simm.s32 $0x1  }
0x2: {  	[smem:$0x3F9B] =	sst lr;
	_ =	strace $0xD0000000  }
0x3: {  	_ = 	snop  }
0x4: {  	_ = 	snop  }
0x5: {  	_ = 	snop  }
0x6: {  	_ = 	snop  }
0x7: {  	_ = 	snop  }
__scs_overlays_trampoline_lowered:
0x8: {  	[smem:$0x3FAA] =	sst s0  }
0x9: {  	[smem:$0x3FAB] =	sst s1  }
0xa: {  	[smem:$0x3FAC] =	sst s2  }
0xb: {  	[smem:$0x3FAD] =	sst s3  }
0xc: {  	[smem:$0x3FAE] =	sst s4  }
0xd: {  	[smem:$0x3FAF] =	sst s5  }
0xe: {  	[smem:$0x3FB0] =	sst s6  }
0xf: {  	[smem:$0x3FB1] =	sst s7  }
0x10: {  	[smem:$0x3FB2] =	sst s8  }
0x11: {  	[smem:$0x3FB3] =	sst s9;
	s0 =	simm.s32 @!p0 $0x0  }
0x12: {  	s1 =	sld [smem:$0x3F99];
	s0 =	simm.s32 @p0 $0x1  }
0x13: {  	[smem:$0x3FB4] =	sst s0;
	s0 =	simm.s32 @!p1 $0x0  }
0x14: {  	s2 =	sld [smem:$0x3F98];
	s0 =	simm.s32 @p1 $0x1  }
0x15: {  	[smem:$0x3FB5] =	sst s0;
	s0 =	simm.s32 @!p2 $0x0  }
0x16: {  	s3 =	sld [smem:$0x3FDB];
	s0 =	simm.s32 @p2 $0x1  }
0x17: {  	s4 =	simm.s32 $0x1BF5;
	[smem:$0x3FB7] =	sst s0  }
0x18: {  	s0 =	sld [smem:$0x3F9A];
	_ =	swait.ge [sflag:s4], $0x0  }
0x19: {  	s7 =	sld [smem:$0x3F9B]  }
0x1a: {  	s8 =	sadd.s32 $0xFFFFE003, lr  }
0x1b: {  	s9 =	sadd.s32 $0xFFFFFEF7, lr;
	s5 =	simm.s32 $0xFFFFFFFF;
	p2 =	slt.u32 s8, $0xFFFFF086  }
0x1c: {  	p1 =	slt.u32 s9, $0xF7A;
	s5 =	simm.s32 @!p2 $0x0  }
0x1d: {  	s5 =	simm.s32 @p1 $0x1;
	p0 =	seq.s32 s7, s2  }
0x1e: {  	s7 =	smul.u32 @!p0 $0xF7A, s2;
	p2 =	seq.s32 @!p0 s5, $0x0  }
0x1f: {  	s9 =	smul.u32 $0xF7A, s1;
	s8 =	simm.s32 @!p0 $0x1BF5;
	p2 =	por !p2, p0  }
0x20: {  	[sflag:s8] =	ssyncset.s32 @!p0 $0xFFFFF086;
	s6 =	sadd.s32 @!p0 s3, s7;
	s7 =	simm.s32 @!p0 $0x108  }
0x21: {  	s3 =	sadd.s32 s3, s9;
	s6 =	sadd.s32 @!p0 $0x88, s6;
	s7 =	simm.s32 @p2 $0x1082  }
0x22: {  	[simem:s7], [sflag:s8] =	dma.local @!p0 [hbm:s6], $0xF7A  }
0x23: {  	s9 =	sor.u32 $0xD0000000, s2;
	s6 =	simm.s32 $0x108;
	_ =	swait.ge @!p0 [sflag:s8], $0x0  }
0x24: {  	s3 =	sadd.s32 $0x88, s3;
	s6 =	simm.s32 @!p1 $0x1082;
	[sflag:s4] =	ssyncset.s32 $0xFFFFF086  }
0x25: {  	[simem:s6], [sflag:s4] =	dma.local [hbm:s3], $0xF7A  }
0x26: {  	[smem:$0x3F9B] =	sst s1;
	(tag) =	ssettag s2;
	_ =	strace s9  }
0x27: {  	s1 =	sld [smem:$0x3FAB]  }
0x28: {  	s2 =	sld [smem:$0x3FAC]  }
0x29: {  	s4 =	sld [smem:$0x3FAE]  }
0x2a: {  	p0 =	seq.s32 s5, $0x0;
	s5 =	sld [smem:$0x3FAF]  }
0x2b: {  	s6 =	sld [smem:$0x3FB0]  }
0x2c: {  	s7 =	sld [smem:$0x3FB1]  }
0x2d: {  	s3 =	simm.s32 $0x108;
	s8 =	sld [smem:$0x3FB2]  }
0x2e: {  	s3 =	simm.s32 @!p0 $0x1082;
	s9 =	sld [smem:$0x3FB3]  }
0x2f: {  	lr =	sadd.s32 s0, s3;
	s0 =	sld [smem:$0x3FAA]  }
0x30: {  	s3 =	sld [smem:$0x3FAD]  }
0x31: {  	[smem:$0x3FB6] =	sst s10  }
0x32: {  	s10 =	sld [smem:$0x3FB4];
	_ =	sdelay $0x3  }
0x33: {  	p0 =	seq.s32 s10, $0x1;
	s10 =	sld [smem:$0x3FB6];
	_ =	sdelay $0x3  }
0x34: {  	[smem:$0x3FB6] =	sst s10  }
0x35: {  	s10 =	sld [smem:$0x3FB5];
	_ =	sdelay $0x3  }
0x36: {  	p1 =	seq.s32 s10, $0x1;
	s10 =	sld [smem:$0x3FB6];
	_ =	sdelay $0x3  }
0x37: {  	[smem:$0x3FB6] =	sst s10  }
0x38: {  	s10 =	sld [smem:$0x3FB7]  }
0x39: {  	_ = 	snop;
	(pc) =	sbr.ind lr, $3  }
0x3a: {  	_ = 	snop  }
0x3b: {  	_ = 	snop  }
0x3c: {  	p2 =	seq.s32 s10, $0x1;
	s10 =	sld [smem:$0x3FB6]  }
0x3d: {  	_ =	shalt  }
0x3e: {  	_ =	shalt  }
0x3f: {  	_ =	shalt  }
0x40: {  	_ =	shalt  }
0x41: {  	_ =	shalt  }
0x42: {  	_ =	shalt  }
0x43: {  	_ =	shalt  }
0x44: {  	_ =	shalt  }
0x45: {  	_ =	shalt  }
0x46: {  	_ =	shalt  }
0x47: {  	_ =	shalt  }
0x48: {  	_ =	shalt  }
0x49: {  	_ =	shalt  }
0x4a: {  	_ =	shalt  }
0x4b: {  	_ =	shalt  }
0x4c: {  	_ =	shalt  }
0x4d: {  	_ =	shalt  }
0x4e: {  	_ =	shalt  }
0x4f: {  	_ =	shalt  }
0x50: {  	_ =	shalt  }
0x51: {  	_ =	shalt  }
0x52: {  	_ =	shalt  }
0x53: {  	_ =	shalt  }
0x54: {  	_ =	shalt  }
0x55: {  	_ =	shalt  }
0x56: {  	_ =	shalt  }
0x57: {  	_ =	shalt  }
0x58: {  	_ =	shalt  }
0x59: {  	_ =	shalt  }
0x5a: {  	_ =	shalt  }
0x5b: {  	_ =	shalt  }
0x5c: {  	_ =	shalt  }
0x5d: {  	_ =	shalt  }
0x5e: {  	_ =	shalt  }
0x5f: {  	_ =	shalt  }
0x60: {  	_ =	shalt  }
0x61: {  	_ =	shalt  }
0x62: {  	_ =	shalt  }
0x63: {  	_ =	shalt  }
0x64: {  	_ =	shalt  }
0x65: {  	_ =	shalt  }
0x66: {  	_ =	shalt  }
0x67: {  	_ =	shalt  }
0x68: {  	_ =	shalt  }
0x69: {  	_ =	shalt  }
0x6a: {  	_ =	shalt  }
0x6b: {  	_ =	shalt  }
0x6c: {  	_ =	shalt  }
0x6d: {  	_ =	shalt  }
0x6e: {  	_ =	shalt  }
0x6f: {  	_ =	shalt  }
0x70: {  	_ =	shalt  }
0x71: {  	_ =	shalt  }
0x72: {  	_ =	shalt  }
0x73: {  	_ =	shalt  }
0x74: {  	_ =	shalt  }
0x75: {  	_ =	shalt  }
0x76: {  	_ =	shalt  }
0x77: {  	_ =	shalt  }
0x78: {  	_ =	shalt  }
0x79: {  	_ =	shalt  }
0x7a: {  	_ =	shalt  }
0x7b: {  	_ =	shalt  }
0x7c: {  	_ =	shalt  }
0x7d: {  	_ =	shalt  }
0x7e: {  	_ =	shalt  }
0x7f: {  	_ =	shalt  }
0x80: {  	_ =	shalt  }
0x81: {  	_ =	shalt  }
0x82: {  	_ =	shalt  }
0x83: {  	_ =	shalt  }
0x84: {  	_ =	shalt  }
0x85: {  	_ =	shalt  }
0x86: {  	_ =	shalt  }
0x87: {  	_ =	shalt  }
.Lfunc_end0:
.L_simem_size_0:
called_computation.1_lowered:
.L_overlay_start_0:
0x88: {  	s2 =	sld [smem:$0x3FD9]  }
0x89: {  	s3 =	sld [smem:$0x3FFE];
	_ =	sdelay $0x1  }
0x8a: {  	s1 =	srdreg.scid  }
0x8b: {  	s0 =	sand.u32 $0x1, s1  }
0x8c: {  	s17 =	sshll.u32 s0, $0xA;
	s2 =	sadd.s32 s3, s2  }
0x8d: {  	s2 =	sadd.s32 s2, s17  }
0x8e: {  	[smem:$0x3FC2] =	sst s2  }
0x8f: {  	_ = 	snop  }
0x90: {  	s2 =	sld [smem:$0x3FD0];
	(tm) =	ssettm $0x1  }
0x91: {  	s18 =	sld [smem:$0x3FFB];
	_ =	sdelay $0x3  }
0x92: {  	_ =	strace s18  }
0x93: {  	s3 =	sld [smem:$0x3FFC];
	_ =	sdelay $0x3  }
0x94: {  	_ =	strace s3  }
0x95: {  	s3 =	sld [smem:$0x3FFD];
	_ =	sdelay $0x3  }
0x96: {  	_ =	strace s3  }
0x97: {  	_ =	strace $0x8FFFFFFF  }
0x98: {  	s19 =	sld [smem:$0x3FDB];
	_ =	sdelay $0x1  }
0x99: {  	s4 =	simm.s32 $_scs_section_size  }
0x9a: {  	s5 =	simm.s32 $_size__tile_overlayer_lowered;
	s6 =	simm.s32 $_tile_overlayer_lowered  }
0x9b: {  	s22 =	simm.s32 $0x1BFF;
	s21 =	sshll.u32 s6, $0x1;
	s3 =	sadd.s32 s4, s19  }
0x9c: {  	s7 =	simm.s32 $0x0;
	s20 =	sshll.u32 s5, $0x1;
	s5 =	sadd.s32 s21, s3  }
0x9d: {  	[timem:s7], [sflag:s22] =	dma.local [hbm:s5], s20  }
0x9e: {  	_ =	swait.ge [sflag:s22], s20  }
0x9f: {  	s4 =	ssub.s32 $0x0, s20;
	[sflag:s22] =	ssyncset.done $0x0  }
0xa0: {  	[sflag:s22] =	ssyncadd.s32 s4;
	_ =	sdelay $0x1  }
0xa1: {  	s23 =	simm.s32 $0x1B8B  }
0xa2: {  	_ =	swait.ge [sflag:s23], $0x1  }
0xa3: {  	[sflag:s23] =	ssyncset.done $0x0  }
0xa4: {  	s25 =	simm.s32 $0x1B8E;
	s24 =	sld [smem:$0x3FFE];
	[sflag:s23] =	ssyncadd.s32 $0xFFFFFFFF  }
0xa5: {  	s26 =	simm.s32 $execute0_lowered;
	[smem:$0x3FD2] =	sst s25  }
0xa6: {  	s5 =	sshll.u32 s26, $0x1;
	_ =	strace $0x80000049;
	[dreg:$0x1] =	wrdreg $0xFFFFFFFF  }
0xa7: {  	s28 =	simm.s32 $_size_execute0_lowered;
	s3 =	sadd.s32 s3, s5;
	[dreg:$0x0] =	wrdreg $0x0  }
0xa8: {  	s5 =	sshll.u32 s28, $0x1;
	[dreg:$0x2] =	wrdreg s3  }
0xa9: {  	[dreg:$0x3] =	wrdreg s5  }
0xaa: {  	[dreg:$0x4] =	wrdreg $0xC0  }
0xab: {  	_ =	task [dreg:s7], $0x5FFFF  }
0xac: {  	[dreg:$0x1] =	wrdreg $0xFFFFFFFF  }
0xad: {  	[dreg:$0x0] =	wrdreg $0x60  }
0xae: {  	[dreg:$0x2] =	wrdreg s2  }
0xaf: {  	[dreg:$0x3] =	wrdreg s24  }
0xb0: {  	[dreg:$0x4] =	wrdreg $0xB1000  }
0xb1: {  	[dreg:$0x5] =	wrdreg $0x14F000  }
0xb2: {  	[dreg:$0x6] =	wrdreg $0x9  }
0xb3: {  	_ =	task.clear_ibuf [dreg:s7], $0x7FFFF;
	_ =	strace $0x90000049  }
0xb4: {  	s29 =	simm.s32 $0x9;
	_ =	strace $0x8000004B  }
0xb5: {  	_ =	swait.ge [sflag:s29], $0x1  }
0xb6: {  	[sflag:s29] =	ssyncadd.s32 $0xFFFFFFFF  }
0xb7: {  	_ =	strace $0x9000004B  }
0xb8: {  	_ =	sfence  }
0xb9: {  	s30 =	sld [smem:$0x0];
	_ =	sdelay $0x2  }
0xba: {  	s31 =	sshll.u32 s1, $0xD;
	s1 =	sshrl.u32 s1, $0x2  }
0xbb: {  	s3 =	sand.u32 $0x4000, s31;
	s1 =	sadd.s32 s1, s30  }
0xbc: {  	s0 =	sor.u32 s3, s0;
	s1 =	sshll.u32 s1, $0x11  }
0xbd: {  	s0 =	sor.u32 s1, s0  }
0xbe: {  	s0 =	sadd.s32 $0x8F2B, s0  }
0xbf: {  	[sflag:s0] =	ssyncadd.remote.s32 $0x1  }
0xc0: {  	_ =	sfence.sel $0xFFFF  }
0xc1: {  	[dreg:$0x0] =	wrdreg $0xFFFFFFFF;
	(pc) =	sbr.abs _section_cstart, $3  }
0xc2: {  	[dreg:$0x1] =	wrdreg $0xFFFFFFFF  }
0xc3: {  	_ =	task.clear_ibuf [dreg:s7], $0x2FFFF;
	_ =	strace $0x9FFFFFFF  }
0xc4: {  	(tm) =	ssettm $0x7FFFFFFF  }
0xc5: {  	_ =	shalt  }
tec
execute0_lowered:
.L_overlay_start_1:
0x0: {  	(tag) =	ssettag $0x1  }
0x1: {  	s7 =	rddreg [dreg:$0x0]  }
0x2: {  	s6 =	rddreg [dreg:$0x1]  }
0x3: {  	s1 =	srdreg.scid;
	s2 =	rddreg [dreg:$0x2]  }
0x4: {  	s0 =	stileid.u32;
	s3 =	rddreg [dreg:$0x3]  }
0x5: {  	s4 =	simm.s32 $0x0;
	s16 =	simm.s32 $0x5100;
	s17 =	simm.s32 $0x7100  }
0x6: {  	s18 =	simm.s32 $0x1;
	s20 =	simm.s32 $0x3;
	s21 =	simm.s32 $0x0  }
0x7: {  	s5 =	sand.u32 $0x1, s1;
	s30 =	sshll.u32 s0, $0x1;
	s9 =	smul.u32 $0x9E00, s0  }
0x8: {  	[smem:$0x7FF] =	sst s4;
	s1 =	sor.u32 s5, s30;
	s10 =	smul.u32 $0x9E000, s5  }
0x9: {  	s19 =	sshll.u32 s0, $0x6;
	s5 =	ssub.s32 $0x2, s5;
	s8 =	smul.u32 $0x510, s1  }
0xa: {  	s1 =	rddreg [dreg:$0x4];
	_ =	strace $0x8000004A;
	s11 =	sshrl.u32 s9, $0x3  }
0xb: {  	s31 =	sshrl.u32 s5, $0x1;
	s14 =	sadd.s32 s9, s2;
	s15 =	sadd.s32 s9, s3  }
0xc: {  	s10 =	sadd.s32 s9, s10;
	s12 =	sadd.s32 s11, s6;
	s13 =	ssub.s32 s5, s31  }
0xd: {  	s7 =	sadd.s32 s7, s11;
	s8 =	sadd.s32 s8, s6;
	s10 =	sshrl.u32 s10, $0x3  }
0xe: {  	s9 =	sadd.s32 $0x15400, s12;
	s11 =	smax.u32 s13, $0x1;
	s12 =	sshrl.u32 s14, $0x3  }
0xf: {  	s13 =	sshrl.u32 s15, $0x3;
	s14 =	simm.s32 $0x2;
	s15 =	simm.s32 $0x80  }
0x10: {  	s10 =	sadd.s32 s10, s6;
	s5 =	sadd.s32 $0xB200, s8;
	s6 =	sadd.s32 $0x1000, s8  }
0x11: {  	s8 =	sor.u32 $0x1C02, s19;
	s19 =	sor.u32 $0x1C03, s19;
	s10 =	sadd.s32 $0x29000, s10  }
.LBB2_1:
0x12: {  	[tilespmem:s4], [sflag:$0x2] =	stream.linear.gather [hbm4b:s5+s4], $0x2880, $0x38;
	[tilespmem:$0x1ED00] =	vst v63  }
0x13: {  	s22 =	simm.s32 $0x2880  }
0x14: {  	[tilespmem:s22], [sflag:$0x2] =	stream.linear.gather [hbm4b:s6+s4], $0x2880, $0x38;
	[tilespmem:$0x1ED00] =	vst v63  }
0x15: {  	[spmem:s12], [sflag:s8] =	dma.local [hbm:s7], $0x13C0  }
0x16: {  	[spmem:s13], [sflag:s8] =	dma.local [hbm:s9], $0x13C0  }
0x17: {  	_ =	swait.ge [sflag:s14], $0x2880  }
0x18: {  	[sflag:s14] =	ssyncset.done $0x0  }
0x19: {  	[sflag:s14] =	ssyncadd.s32 $0xFFFFD780  }
0x1a: {  	_ =	swait.ge [sflag:s14], $0x2880  }
0x1b: {  	[sflag:s14] =	ssyncset.done $0x0  }
0x1c: {  	s23 =	smul.u32 $0xAB, s4;
	[sflag:s14] =	ssyncadd.s32 $0xFFFFD780  }
0x1d: {  	s28 =	simm.s32 $0x100;
	_ =	swait.ge [sflag:s14], $0x13C0  }
0x1e: {  	s24 =	sshrl.u32 s23, $0x9;
	s23 =	sadd.s32 $0x156, s23;
	[sflag:s14] =	ssyncset.done $0x0  }
0x1f: {  	s24 =	sand.u32 $0x7F, s24;
	s23 =	sshrl.u32 s23, $0x9;
	[sflag:s14] =	ssyncadd.s32 $0xFFFFEC40  }
0x20: {  	s25 =	smul.u32 $0x3, s24;
	s23 =	sand.u32 $0x7F, s23;
	_ =	swait.ge [sflag:s14], $0x13C0  }
0x21: {  	p0 =	por $0x1, $0x1;
	s26 =	smul.u32 $0x3, s23;
	[sflag:s14] =	ssyncset.done $0x0  }
0x22: {  	s29 =	simm.s32 @!p0 $0x2;
	s24 =	simm.s32 $0x2;
	[sflag:s14] =	ssyncadd.s32 $0xFFFFEC40  }
0x23: {  	s25 =	ssub.s32 $0x0, s25;
	s26 =	ssub.s32 $0x0, s26;
	[bflag:$0x0] =	sbarrier.arrive $0xFFFF  }
0x24: {  	[tilespmem:s16], [sflag:$0x1] =	stream.indirect.gather [spmem:s2], $0x40, s4, s15, $0xb8;
	[tilespmem:$0x1ED00] =	vst v63  }
0x25: {  	s23 =	simm.s32 $0x1;
	s25 =	sand.u32 $0xFF, s25;
	s26 =	sadd.s32 $0x2, s26  }
0x26: {  	[tilespmem:s17], [sflag:$0x1] =	stream.indirect.gather [spmem:s2], $0x40, s15, s15, $0xb8;
	[tilespmem:$0x1ED00] =	vst v63  }
0x27: {  	s25 =	sshll.u32 s25, $0xD;
	s30 =	sand.u32 $0xFF, s26;
	_ =	swait.ge @!p0 [sflag:s29], $0x2000  }
0x28: {  	s26 =	sadd.s32 $0x5100, s25;
	s25 =	sshll.u32 s30, $0xD;
	[sflag:s29] =	ssyncset.done @!p0 $0x0  }
0x29: {  	s31 =	smul.u32 $0xAB, s23;
	s25 =	sadd.s32 $0x5100, s25;
	[sflag:s29] =	ssyncadd.s32 @!p0 $0xFFFFE000  }
0x2a: {  	[tilespmem:s25], [sflag:$0x1] =	stream.indirect.gather [spmem:s2], $0x40, s28, s15, $0xb8;
	[tilespmem:$0x1ED00] =	vst v63  }
0x2b: {  	s29 =	sadd.s32 $0x156, s31;
	s28 =	sshrl.u32 s31, $0x9;
	_ =	swait.ge [sflag:s18], $0x2000  }
0x2c: {  	s25 =	simm.s32 $0x180;
	s28 =	sand.u32 $0x7F, s28;
	[sflag:s18] =	ssyncset.done $0x0  }
0x2d: {  	s29 =	sshrl.u32 s29, $0x9;
	s28 =	smul.u32 $0x3, s28;
	[sflag:s18] =	ssyncadd.s32 $0xFFFFE000  }
.LBB2_2:
0x2e: {  	s29 =	sand.u32 $0x7F, s29;
	s30 =	smov.u32 s23;
	s23 =	smov.u32 s24  }
0x2f: {  	s24 =	sadd.s32 $0x1, s24;
	s31 =	smov.u32 s22;
	s22 =	sadd.s32 $0x80, s22  }
0x30: {  	p0 =	sne.s32 s24, $0x4F;
	s29 =	smul.u32 $0x3, s29;
	s28 =	ssub.s32 s30, s28  }
0x31: {  	[spmem:s3] =	stream.indirect.scatter.add.f32 [tilespmem:s26], [sflag:$0x2], $0x40, s31, s15, $0xb8;
	[tilespmem:$0x1ED00] =	vst v63  }
0x32: {  	p1 =	seq.s32 s30, $0x0;
	s28 =	sand.u32 $0xFF, s28;
	s26 =	ssub.s32 s30, s29  }
0x33: {  	s29 =	simm.s32 @!p1 $0x2;
	s28 =	sshll.u32 s28, $0xD;
	s26 =	sadd.s32 $0x2, s26  }
0x34: {  	_ =	swait.ge @!p1 [sflag:s29], $0x2000;
	s30 =	sand.u32 $0xFF, s26;
	s26 =	sadd.s32 $0x5100, s28  }
0x35: {  	s28 =	smul.u32 $0xAB, s23;
	[sflag:s29] =	ssyncset.done @!p1 $0x0;
	s30 =	sshll.u32 s30, $0xD  }
.Ltmp0:
0x36: {  	[sflag:s29] =	ssyncadd.s32 @!p1 $0xFFFFE000;
	s29 =	sadd.s32 $0x5100, s30;
	(pc) =	sbr.rel @p0 .LBB2_2-.Ltmp0, $4  }
0x37: {  	[tilespmem:s29], [sflag:$0x1] =	stream.indirect.gather [spmem:s2], $0x40, s25, s15, $0xb8;
	[tilespmem:$0x1ED00] =	vst v63  }
0x38: {  	s29 =	sshrl.u32 s28, $0x9;
	s25 =	sadd.s32 $0x80, s25;
	_ =	swait.ge [sflag:s18], $0x2000  }
0x39: {  	s28 =	sadd.s32 $0x156, s28;
	s30 =	sand.u32 $0x7F, s29;
	[sflag:s18] =	ssyncset.done $0x0  }
0x3a: {  	s29 =	sshrl.u32 s28, $0x9;
	s28 =	smul.u32 $0x3, s30;
	[sflag:s18] =	ssyncadd.s32 $0xFFFFE000  }
0x3b: {  	s24 =	sand.u32 $0x7F, s29  }
0x3c: {  	s24 =	smul.u32 $0x3, s24  }
0x3d: {  	[spmem:s3] =	stream.indirect.scatter.add.f32 [tilespmem:s26], [sflag:$0x2], $0x40, s22, s15, $0xb8;
	[tilespmem:$0x1ED00] =	vst v63  }
0x3e: {  	p0 =	seq.s32 s23, $0x0;
	s24 =	ssub.s32 s23, s24  }
0x3f: {  	s26 =	simm.s32 @!p0 $0x2;
	s24 =	sadd.s32 $0x2, s24  }
0x40: {  	_ =	swait.ge @!p0 [sflag:s26], $0x2000;
	s24 =	sand.u32 $0xFF, s24  }
0x41: {  	[sflag:s26] =	ssyncset.done @!p0 $0x0;
	s24 =	sshll.u32 s24, $0xD  }
0x42: {  	s30 =	ssub.s32 s23, s28;
	[sflag:s26] =	ssyncadd.s32 @!p0 $0xFFFFE000;
	s24 =	sadd.s32 $0x5100, s24  }
0x43: {  	[tilespmem:s24], [sflag:$0x1] =	stream.indirect.gather [spmem:s2], $0x40, s25, s15, $0xb8;
	[tilespmem:$0x1ED00] =	vst v63  }
0x44: {  	s23 =	sand.u32 $0xFF, s30;
	_ =	swait.ge [sflag:s18], $0x2000  }
0x45: {  	s23 =	sshll.u32 s23, $0xD;
	[sflag:s18] =	ssyncset.done $0x0  }
0x46: {  	s31 =	sadd.s32 $0x80, s22;
	s23 =	sadd.s32 $0x5100, s23;
	[sflag:s18] =	ssyncadd.s32 $0xFFFFE000  }
0x47: {  	[spmem:s3] =	stream.indirect.scatter.add.f32 [tilespmem:s23], [sflag:$0x2], $0x40, s31, s15, $0xb8;
	[tilespmem:$0x1ED00] =	vst v63  }
0x48: {  	_ =	swait.ge [sflag:s14], $0x2000  }
0x49: {  	[sflag:s14] =	ssyncset.done $0x0  }
0x4a: {  	[sflag:s14] =	ssyncadd.s32 $0xFFFFE000  }
0x4b: {  	_ =	swait.ge [sflag:s18], $0x2000  }
0x4c: {  	[sflag:s18] =	ssyncset.done $0x0  }
0x4d: {  	[sflag:s18] =	ssyncadd.s32 $0xFFFFE000  }
0x4e: {  	_ =	swait.ge [sflag:s18], $0x2000  }
0x4f: {  	s21 =	sadd.s32 $0x1, s21;
	[sflag:s18] =	ssyncset.done $0x0  }
0x50: {  	p0 =	sne.s32 s21, s11;
	[sflag:s18] =	ssyncadd.s32 $0xFFFFE000  }
.Ltmp1:
0x51: {  	[bflag:$0x0] =	sbarrier.arrive $0xFFFF;
	(pc) =	sbr.rel @p0 .LBB2_1-.Ltmp1, $4  }
0x52: {  	[hbm:s10], [sflag:s19] =	dma.local [spmem:s13], $0x13C0  }
0x53: {  	_ =	swait.ge [sflag:s20], $0x13C0  }
0x54: {  	[sflag:s20] =	ssyncset.done $0x0  }
0x55: {  	[sflag:s20] =	ssyncadd.s32 $0xFFFFEC40  }
0x56: {  	_ =	sfence.sel $0x180000  }
0x57: {  	[bflag:$0x0] =	sbarrier.arrive $0xFFFF  }
0x58: {  	p0 =	sne.s32 s0, $0x0;
	_ =	strace $0x9000004A  }
0x59: {  	s0 =	sadd.s32 @!p0 $0x100000, s1;
	[bflag:$0x2] =	sbarrier.arrive $0xFFFF  }
0x5a: {  	[sflag:s0] =	ssyncadd.tile.s32 @!p0 $0x1;
	_ =	shalt  }
.Lfunc_end2:
_tile_overlayer_lowered:
.L_overlay_start_2:
0x5b: {  	(tag) =	ssettag $0x2  }
0x5c: {  	s0 =	rddreg [dreg:$0x0];
	s2 =	stileid.u32  }
0x5d: {  	s1 =	rddreg [dreg:$0x1];
	p0 =	sne.s32 s2, $0x0  }
0x5e: {  	s3 =	rddreg [dreg:$0x2];
	[bflag:$0x3] =	sbarrier.arrive $0xFFFF;
	s2 =	simm.s32 @!p0 $0x1C03  }
0x5f: {  	[timem:s3], [sflag:s2] =	dma.local @!p0 [hbm:s0], s1  }
0x60: {  	s0 =	simm.s32 @!p0 $0x3  }
0x61: {  	_ =	swait.ge @!p0 [sflag:s0], s1  }
0x62: {  	s1 =	ssub.s32 @!p0 $0x0, s1;
	[sflag:s0] =	ssyncset.done @!p0 $0x0  }
0x63: {  	[sflag:s0] =	ssyncadd.s32 @!p0 s1  }
0x64: {  	[bflag:$0x3] =	sbarrier.arrive $0xFFFF  }
0x65: {  	_ =	shalt  }

</sc_bundles>
